<compile_context>
chip_gen: v7x
topology: tpu7x:2x2x1
jax: 0.10.2.dev20260603
libtpu: 0.0.44.dev20260713+nightly
codegen_flags: <defaults>
</compile_context>

<pallas_src>
import functools

import jax
import jax.numpy as jnp
from jax import lax
from jax.experimental import pallas as pl
from jax.experimental.pallas import tpu as pltpu
from jax.experimental.pallas import tpu_sc as plsc

_R, _P, _S, _E = 64, 16, 32, 17
_D = 128
_KP = 144
_OFF_P, _OFF_S, _OFF_E = _R, _R + _P, _R + _P + _S
_LPAD = 56


def _premul_body(tabs_ref, w_ref, out_ref):
    out_ref[...] = jnp.dot(tabs_ref[...], w_ref[...],
                           preferred_element_type=jnp.float32)


def _pack_idx_body(ri_ref, pi_ref, si_ref, ei_ref, out_ref, *, l):
    out_ref[0, :l, :] = ri_ref[...]
    out_ref[1, :l, :] = pi_ref[...] + _OFF_P
    out_ref[2, :l, :] = si_ref[...] + _OFF_S
    out_ref[3, :l, :] = ei_ref[...] + _OFF_E


def _sc_gather_body(wc_hbm, idx_hbm, y_hbm, wc_sh, idx_all, acc_s, sem_i,
                    sem_g, sem_o, *, bsz, l):
    sid = lax.axis_index("s")
    w = sid * 2 + lax.axis_index("c")

    @pl.when(sid == 0)
    def _():
        pltpu.sync_copy(wc_hbm, wc_sh)
    plsc.subcore_barrier()

    pltpu.async_copy(idx_hbm.at[:, :, pl.ds(w * 128, 128)], idx_all,
                     sem_i).wait()

    def two_cols(i, carry):
        for s in (0, 1):
            j = i * 2 + s

            @pl.when(i >= 1)
            def _():
                pltpu.make_async_copy(y_hbm.at[pl.ds(0, 128), :],
                                      acc_s.at[s], sem_o.at[s]).wait()

            pltpu.async_copy(wc_sh.at[idx_all.at[0, j]], acc_s.at[s],
                             sem_g).wait()
            adds = [
                pltpu.async_copy(wc_sh.at[idx_all.at[f, j]], acc_s.at[s],
                                 sem_g, add=True)
                for f in (1, 2, 3)
            ]
            for d in adds:
                d.wait()
            pltpu.async_copy(acc_s.at[s],
                             y_hbm.at[pl.ds(j * bsz + w * 128, 128), :],
                             sem_o.at[s])
        return carry

    lax.fori_loop(0, l // 2, two_cols, 0)
    for s in (0, 1):
        pltpu.make_async_copy(y_hbm.at[pl.ds(0, 128), :], acc_s.at[s],
                              sem_o.at[s]).wait()


def _ln_body(y_ref, b_ref, g_ref, bb_ref, out_ref, *, lb, bsz):
    x = y_ref[...] + b_ref[0, :][None, :]
    mu = jnp.mean(x, axis=1, keepdims=True)
    xc = x - mu
    var = jnp.mean(xc * xc, axis=1, keepdims=True)
    y = xc * lax.rsqrt(var + 1e-5) * g_ref[0, :][None, :] \
        + bb_ref[0, :][None, :]
    out_ref[...] = y.reshape(lb, bsz, _D)


def kernel(root_indices, prefix_indices, suffix_indices, ending_indices,
           root_table, prefix_table, suffix_table, ending_table,
           proj_w, proj_b, ln_gamma, ln_beta):
    b, l = root_indices.shape
    tb = 512
    g = b // tb

    tabs = jnp.concatenate([
        root_table, prefix_table, suffix_table, ending_table,
        jnp.zeros((_KP - _OFF_E - _E, _D), jnp.float32),
    ], axis=0)

    wc = pl.pallas_call(
        _premul_body,
        out_shape=jax.ShapeDtypeStruct((_KP, _D), jnp.float32),
    )(tabs, proj_w)

    idx_spec = pl.BlockSpec((l, tb), lambda i: (0, i))
    idxpack = pl.pallas_call(
        functools.partial(_pack_idx_body, l=l),
        grid=(g,),
        in_specs=[idx_spec, idx_spec, idx_spec, idx_spec],
        out_specs=pl.BlockSpec((4, _LPAD, tb), lambda i: (0, 0, i)),
        out_shape=jax.ShapeDtypeStruct((4, _LPAD, b), jnp.int32),
    )(root_indices.T, prefix_indices.T, suffix_indices.T, ending_indices.T)

    mesh = plsc.VectorSubcoreMesh(core_axis_name="c", subcore_axis_name="s")
    y2 = pl.kernel(
        functools.partial(_sc_gather_body, bsz=b, l=l),
        out_type=jax.ShapeDtypeStruct((l * b, _D), jnp.float32),
        mesh=mesh,
        scratch_types=[
            pltpu.VMEM_SHARED((_KP, _D), jnp.float32),
            pltpu.VMEM((4, _LPAD, 128), jnp.int32),
            pltpu.VMEM((2, 128, _D), jnp.float32),
            pltpu.SemaphoreType.DMA,
            pltpu.SemaphoreType.DMA,
            pltpu.SemaphoreType.DMA((2,)),
        ],
    )(wc, idxpack)

    lb = 2
    g2 = l // lb
    vec_spec = pl.BlockSpec((1, _D), lambda i: (0, 0))
    out_t = pl.pallas_call(
        functools.partial(_ln_body, lb=lb, bsz=b),
        grid=(g2,),
        in_specs=[
            pl.BlockSpec((lb * b, _D), lambda i: (i, 0)),
            vec_spec, vec_spec, vec_spec,
        ],
        out_specs=pl.BlockSpec((lb, b, _D), lambda i: (i, 0, 0)),
        out_shape=jax.ShapeDtypeStruct((l, b, _D), jnp.float32),
    )(y2, proj_b.reshape(1, _D), ln_gamma.reshape(1, _D),
      ln_beta.reshape(1, _D))
    return out_t.transpose(1, 0, 2)

# --- scband reference (transcript-rebuilt; emitter-appended) ---
"""Pipeline reference for scband-compositional-embedding-51573967290573 (READ-ONLY COPY).

The authoritative reference and input builder live on the scoring server;
editing this copy changes nothing except your own understanding.
"""

import jax, jax.numpy as jnp
import numpy as np

B, L, D = 4096, 50, 128
R, P, S, E = 64, 16, 32, 17

def setup_inputs(seed: int = 0) -> dict:
    key = jax.random.key(seed)
    ks = jax.random.split(key, 12)
    root_table = 0.1 * jax.random.normal(ks[4], (R, D), dtype=jnp.float32)
    root_table = root_table.at[0].set(0.0)  # <PAD> zeroed
    prefix_table = 0.1 * jax.random.normal(ks[5], (P, D), dtype=jnp.float32)
    prefix_table = prefix_table.at[0].set(0.0)  # <NONE> zeroed
    suffix_table = 0.1 * jax.random.normal(ks[6], (S, D), dtype=jnp.float32)
    suffix_table = suffix_table.at[0].set(0.0)  # <NONE> zeroed
    ending_table = 0.1 * jax.random.normal(ks[7], (E, D), dtype=jnp.float32)
    return {
        'root_indices': jax.random.randint(ks[0], (B, L), 0, R, dtype=jnp.int32),
        'prefix_indices': jax.random.randint(ks[1], (B, L), 0, P, dtype=jnp.int32),
        'suffix_indices': jax.random.randint(ks[2], (B, L), 0, S, dtype=jnp.int32),
        'ending_indices': jax.random.randint(ks[3], (B, L), 0, E, dtype=jnp.int32),
        'root_table': root_table,
        'prefix_table': prefix_table,
        'suffix_table': suffix_table,
        'ending_table': ending_table,
        'proj_w': jax.random.normal(ks[8], (D, D), dtype=jnp.float32) / jnp.sqrt(D),
        'proj_b': jnp.zeros((D,), dtype=jnp.float32),
        'ln_gamma': jnp.ones((D,), dtype=jnp.float32),
        'ln_beta': jnp.zeros((D,), dtype=jnp.float32),
    }

def reference(root_indices, prefix_indices, suffix_indices, ending_indices,
              root_table, prefix_table, suffix_table, ending_table,
              proj_w, proj_b, ln_gamma, ln_beta):
    # embedding gathers (SparseCore-mappable)
    r = jnp.take(root_table, root_indices, axis=0)
    p = jnp.take(prefix_table, prefix_indices, axis=0)
    s = jnp.take(suffix_table, suffix_indices, axis=0)
    e = jnp.take(ending_table, ending_indices, axis=0)
    # composition_method == 'sum'
    composed = r + p + s + e
    composed = composed @ proj_w + proj_b
    # dropout is identity in eval mode
    mu = jnp.mean(composed, axis=-1, keepdims=True)
    var = jnp.var(composed, axis=-1, keepdims=True)
    out = (composed - mu) / jnp.sqrt(var + 1e-5) * ln_gamma + ln_beta
    return out

if __name__ == "__main__":
    import jax
    _d = setup_inputs()
    print(jax.jit(kernel)(*tuple(_d.values())))

</pallas_src>

<mosaic_0001>
#map = affine_map<(d0, d1) -> (0, 0)>
#map1 = affine_map<(d0, d1) -> (0, 0, 0)>
module attributes {stable_mosaic.version = 14 : i64} {
  func.func @_sc_gather_body(%arg0: i32, %arg1: i32, %arg2: memref<144x128xf32, #tpu.memory_space<hbm>>, %arg3: memref<4x56x4096xi32, #tpu.memory_space<hbm>>, %arg4: memref<204800x128xf32, #tpu.memory_space<hbm>>, %arg5: memref<144x128xf32, #tpu.memory_space<vmem_shared>>, %arg6: memref<4x56x128xi32, #tpu.memory_space<vmem>>, %arg7: memref<2x128x128xf32, #tpu.memory_space<vmem>>, %arg8: memref<!tpu.dma_semaphore, #tpu.memory_space<semaphore_mem>>, %arg9: memref<!tpu.dma_semaphore, #tpu.memory_space<semaphore_mem>>, %arg10: memref<2x!tpu.dma_semaphore, #tpu.memory_space<semaphore_mem>>) attributes {dimension_semantics = [#tpu.dimension_semantics<core_parallel>, #tpu.dimension_semantics<subcore_parallel>], iteration_bounds = array<i64: 2, 16>, scalar_prefetch = 0 : i64, scratch_operands = 6 : i64, tpu.core_type = #tpu.core_type<sc_vector_subcore>, window_params = [{transform_indices = #map}, {transform_indices = #map1}, {transform_indices = #map}]} {
    %mul3A = arith.constant 2 : i32
    %mul3A_0 = arith.muli %arg1, %mul3A : i32
    %add3A = arith.addi %mul3A_0, %arg0 : i32
    %eq3A = arith.constant 0 : i32
    %eq3A_1 = arith.cmpi eq, %arg1, %eq3A : i32
    %convert_element_type3A = arith.extui %eq3A_1 : i1 to i32
    %cond3A = arith.constant 0 : i32
    %cond3A_2 = arith.cmpi ne, %convert_element_type3A, %cond3A : i32
    scf.if %cond3A_2 {
      "tpu.region"() ({
        %run_scoped3A = tpu.sem_alloc : memref<!tpu.dma_semaphore, #tpu.memory_space<semaphore_mem>>
        tpu.enqueue_dma source(%arg2 : memref<144x128xf32, #tpu.memory_space<hbm>>) target(%arg5 : memref<144x128xf32, #tpu.memory_space<vmem_shared>>) target_semaphore(%run_scoped3A : memref<!tpu.dma_semaphore, #tpu.memory_space<semaphore_mem>>)
        tpu.wait_dma2 semaphore(%run_scoped3A : memref<!tpu.dma_semaphore, #tpu.memory_space<semaphore_mem>>) src(%arg2 : memref<144x128xf32, #tpu.memory_space<hbm>>) dst(%arg5 : memref<144x128xf32, #tpu.memory_space<vmem_shared>>)
        tpu.yield
      }) : () -> ()
    } else {
    }
    %barrier3A = arith.constant 0 : index
    tpu.barrier barrier_id(%barrier3A)
    %mul3A_3 = arith.constant 128 : i32
    %mul3A_4 = arith.muli %add3A, %mul3A_3 : i32
    %dma_start3A = arith.constant 0 : i32
    %dma_start3A_5 = arith.constant 0 : i32
    %dma_start3A_6 = tpu.memref_slice %arg3[%dma_start3A, %dma_start3A_5, %mul3A_4] : memref<4x56x4096xi32, #tpu.memory_space<hbm>> -> memref<4x56x128xi32, #tpu.memory_space<hbm>>
    %dma_start3A_7 = arith.constant 0 : i32
    %dma_start3A_8 = arith.constant 0 : i32
    %dma_start3A_9 = tpu.memref_slice %arg3[%dma_start3A_7, %dma_start3A_8, %mul3A_4] : memref<4x56x4096xi32, #tpu.memory_space<hbm>> -> memref<4x56x128xi32, #tpu.memory_space<hbm>>
    tpu.enqueue_dma source(%dma_start3A_9 : memref<4x56x128xi32, #tpu.memory_space<hbm>>) target(%arg6 : memref<4x56x128xi32, #tpu.memory_space<vmem>>) target_semaphore(%arg8 : memref<!tpu.dma_semaphore, #tpu.memory_space<semaphore_mem>>)
    %dma_wait3A = arith.constant 0 : i32
    %dma_wait3A_10 = arith.constant 0 : i32
    %dma_wait3A_11 = tpu.memref_slice %arg3[%dma_wait3A, %dma_wait3A_10, %mul3A_4] : memref<4x56x4096xi32, #tpu.memory_space<hbm>> -> memref<4x56x128xi32, #tpu.memory_space<hbm>>
    %dma_wait3A_12 = arith.constant 0 : i32
    %dma_wait3A_13 = arith.constant 0 : i32
    %dma_wait3A_14 = tpu.memref_slice %arg3[%dma_wait3A_12, %dma_wait3A_13, %mul3A_4] : memref<4x56x4096xi32, #tpu.memory_space<hbm>> -> memref<4x56x128xi32, #tpu.memory_space<hbm>>
    tpu.wait_dma2 semaphore(%arg8 : memref<!tpu.dma_semaphore, #tpu.memory_space<semaphore_mem>>) src(%dma_wait3A_14 : memref<4x56x128xi32, #tpu.memory_space<hbm>>) dst(%arg6 : memref<4x56x128xi32, #tpu.memory_space<vmem>>)
    %scan3A = arith.constant 0 : i32
    %scan3A_15 = arith.constant 0 : i32
    %scan3A_16 = arith.constant 25 : i32
    %scan3A_17 = arith.addi %scan3A_15, %scan3A_16 : i32
    %scan3A_18 = arith.constant 1 : i32
    scf.for %scan3A_56 = %scan3A_15 to %scan3A_17 step %scan3A_18  : i32 {
      %mul3A_57 = arith.constant 2 : i32
      %mul3A_58 = arith.muli %scan3A_56, %mul3A_57 : i32
      %add3A_59 = arith.constant 0 : i32
      %add3A_60 = arith.addi %mul3A_58, %add3A_59 : i32
      %ge3A = arith.constant 1 : i32
      %ge3A_61 = arith.cmpi sge, %scan3A_56, %ge3A : i32
      %convert_element_type3A_62 = arith.extui %ge3A_61 : i1 to i32
      %cond3A_63 = arith.constant 0 : i32
      %cond3A_64 = arith.cmpi ne, %convert_element_type3A_62, %cond3A_63 : i32
      scf.if %cond3A_64 {
        %dma_wait3A_308 = arith.constant 0 : i32
        %dma_wait3A_309 = arith.constant 0 : i32
        %dma_wait3A_310 = arith.constant 0 : i32
        %dma_wait3A_311 = arith.constant 0 : i32
        %dma_wait3A_312 = tpu.memref_slice %arg7[%dma_wait3A_308, %dma_wait3A_310, %dma_wait3A_311] : memref<2x128x128xf32, #tpu.memory_space<vmem>> -> memref<1x128x128xf32, #tpu.memory_space<vmem>>
        %dma_wait3A_313 = tpu.memref_squeeze %dma_wait3A_312 : memref<1x128x128xf32, #tpu.memory_space<vmem>> -> memref<128x128xf32, #tpu.memory_space<vmem>>
        %dma_wait3A_314 = arith.constant 0 : i32
        %dma_wait3A_315 = arith.constant 0 : i32
        %dma_wait3A_316 = tpu.memref_slice %arg4[%dma_wait3A_314, %dma_wait3A_315] : memref<204800x128xf32, #tpu.memory_space<hbm>> -> memref<128x128xf32, #tpu.memory_space<hbm>>
        %dma_wait3A_317 = tpu.memref_slice %arg10[%dma_wait3A_309] : memref<2x!tpu.dma_semaphore, #tpu.memory_space<semaphore_mem>> -> memref<1x!tpu.dma_semaphore, #tpu.memory_space<semaphore_mem>>
        %dma_wait3A_318 = tpu.memref_squeeze %dma_wait3A_317 : memref<1x!tpu.dma_semaphore, #tpu.memory_space<semaphore_mem>> -> memref<!tpu.dma_semaphore, #tpu.memory_space<semaphore_mem>>
        %dma_wait3A_319 = arith.constant 0 : i32
        %dma_wait3A_320 = arith.constant 0 : i32
        %dma_wait3A_321 = tpu.memref_slice %arg7[%dma_wait3A_308, %dma_wait3A_319, %dma_wait3A_320] : memref<2x128x128xf32, #tpu.memory_space<vmem>> -> memref<1x128x128xf32, #tpu.memory_space<vmem>>
        %dma_wait3A_322 = tpu.memref_squeeze %dma_wait3A_321 : memref<1x128x128xf32, #tpu.memory_space<vmem>> -> memref<128x128xf32, #tpu.memory_space<vmem>>
        %dma_wait3A_323 = arith.constant 0 : i32
        %dma_wait3A_324 = arith.constant 0 : i32
        %dma_wait3A_325 = tpu.memref_slice %arg4[%dma_wait3A_323, %dma_wait3A_324] : memref<204800x128xf32, #tpu.memory_space<hbm>> -> memref<128x128xf32, #tpu.memory_space<hbm>>
        tpu.wait_dma2 semaphore(%dma_wait3A_318 : memref<!tpu.dma_semaphore, #tpu.memory_space<semaphore_mem>>) src(%dma_wait3A_325 : memref<128x128xf32, #tpu.memory_space<hbm>>) dst(%dma_wait3A_322 : memref<128x128xf32, #tpu.memory_space<vmem>>)
      } else {
      }
      %dma_start3A_65 = arith.constant 0 : i32
      %dma_start3A_66 = arith.constant 0 : i32
      %dma_start3A_67 = arith.constant 0 : i32
      %dma_start3A_68 = arith.constant 0 : i32
      %dma_start3A_69 = tpu.memref_slice %arg7[%dma_start3A_66, %dma_start3A_67, %dma_start3A_68] : memref<2x128x128xf32, #tpu.memory_space<vmem>> -> memref<1x128x128xf32, #tpu.memory_space<vmem>>
      %dma_start3A_70 = tpu.memref_squeeze %dma_start3A_69 : memref<1x128x128xf32, #tpu.memory_space<vmem>> -> memref<128x128xf32, #tpu.memory_space<vmem>>
      %dma_start3A_71 = arith.constant 0 : i32
      %dma_start3A_72 = tpu.memref_slice %arg6[%dma_start3A_65, %add3A_60, %dma_start3A_71] : memref<4x56x128xi32, #tpu.memory_space<vmem>> -> memref<1x1x128xi32, #tpu.memory_space<vmem>>
      %dma_start3A_73 = tpu.memref_squeeze %dma_start3A_72 : memref<1x1x128xi32, #tpu.memory_space<vmem>> -> memref<128xi32, #tpu.memory_space<vmem>>
      %dma_start3A_74 = arith.constant 0 : i32
      %dma_start3A_75 = arith.constant 0 : i32
      %dma_start3A_76 = tpu.memref_slice %arg5[%dma_start3A_74, %dma_start3A_75] : memref<144x128xf32, #tpu.memory_space<vmem_shared>> -> memref<144x128xf32, #tpu.memory_space<vmem_shared>>
      tpu.enqueue_indirect_dma source(%dma_start3A_76 : memref<144x128xf32, #tpu.memory_space<vmem_shared>>) target(%dma_start3A_70 : memref<128x128xf32, #tpu.memory_space<vmem>>) offsets(%dma_start3A_73 : memref<128xi32, #tpu.memory_space<vmem>>) semaphore(%arg9 : memref<!tpu.dma_semaphore, #tpu.memory_space<semaphore_mem>>)
      %dma_wait3A_77 = arith.constant 0 : i32
      %dma_wait3A_78 = arith.constant 0 : i32
      %dma_wait3A_79 = arith.constant 0 : i32
      %dma_wait3A_80 = arith.constant 0 : i32
      %dma_wait3A_81 = tpu.memref_slice %arg7[%dma_wait3A_78, %dma_wait3A_79, %dma_wait3A_80] : memref<2x128x128xf32, #tpu.memory_space<vmem>> -> memref<1x128x128xf32, #tpu.memory_space<vmem>>
      %dma_wait3A_82 = tpu.memref_squeeze %dma_wait3A_81 : memref<1x128x128xf32, #tpu.memory_space<vmem>> -> memref<128x128xf32, #tpu.memory_space<vmem>>
      %dma_wait3A_83 = arith.constant 0 : i32
      %dma_wait3A_84 = tpu.memref_slice %arg6[%dma_wait3A_77, %add3A_60, %dma_wait3A_83] : memref<4x56x128xi32, #tpu.memory_space<vmem>> -> memref<1x1x128xi32, #tpu.memory_space<vmem>>
      %dma_wait3A_85 = tpu.memref_squeeze %dma_wait3A_84 : memref<1x1x128xi32, #tpu.memory_space<vmem>> -> memref<128xi32, #tpu.memory_space<vmem>>
      %dma_wait3A_86 = arith.constant 0 : i32
      %dma_wait3A_87 = arith.constant 0 : i32
      %dma_wait3A_88 = tpu.memref_slice %arg5[%dma_wait3A_86, %dma_wait3A_87] : memref<144x128xf32, #tpu.memory_space<vmem_shared>> -> memref<144x128xf32, #tpu.memory_space<vmem_shared>>
      tpu.wait_indirect_dma semaphore(%arg9 : memref<!tpu.dma_semaphore, #tpu.memory_space<semaphore_mem>>) src(%dma_wait3A_88 : memref<144x128xf32, #tpu.memory_space<vmem_shared>>) dst(%dma_wait3A_82 : memref<128x128xf32, #tpu.memory_space<vmem>>)
      %dma_start3A_89 = arith.constant 1 : i32
      %dma_start3A_90 = arith.constant 0 : i32
      %dma_start3A_91 = arith.constant 0 : i32
      %dma_start3A_92 = arith.constant 0 : i32
      %dma_start3A_93 = tpu.memref_slice %arg7[%dma_start3A_90, %dma_start3A_91, %dma_start3A_92] : memref<2x128x128xf32, #tpu.memory_space<vmem>> -> memref<1x128x128xf32, #tpu.memory_space<vmem>>
      %dma_start3A_94 = tpu.memref_squeeze %dma_start3A_93 : memref<1x128x128xf32, #tpu.memory_space<vmem>> -> memref<128x128xf32, #tpu.memory_space<vmem>>
      %dma_start3A_95 = arith.constant 0 : i32
      %dma_start3A_96 = tpu.memref_slice %arg6[%dma_start3A_89, %add3A_60, %dma_start3A_95] : memref<4x56x128xi32, #tpu.memory_space<vmem>> -> memref<1x1x128xi32, #tpu.memory_space<vmem>>
      %dma_start3A_97 = tpu.memref_squeeze %dma_start3A_96 : memref<1x1x128xi32, #tpu.memory_space<vmem>> -> memref<128xi32, #tpu.memory_space<vmem>>
      %dma_start3A_98 = arith.constant 0 : i32
      %dma_start3A_99 = arith.constant 0 : i32
      %dma_start3A_100 = tpu.memref_slice %arg5[%dma_start3A_98, %dma_start3A_99] : memref<144x128xf32, #tpu.memory_space<vmem_shared>> -> memref<144x128xf32, #tpu.memory_space<vmem_shared>>
      tpu.enqueue_indirect_dma source(%dma_start3A_100 : memref<144x128xf32, #tpu.memory_space<vmem_shared>>) target(%dma_start3A_94 : memref<128x128xf32, #tpu.memory_space<vmem>>) offsets(%dma_start3A_97 : memref<128xi32, #tpu.memory_space<vmem>>) semaphore(%arg9 : memref<!tpu.dma_semaphore, #tpu.memory_space<semaphore_mem>>) {add = true}
      %dma_start3A_101 = arith.constant 2 : i32
      %dma_start3A_102 = arith.constant 0 : i32
      %dma_start3A_103 = arith.constant 0 : i32
      %dma_start3A_104 = arith.constant 0 : i32
      %dma_start3A_105 = tpu.memref_slice %arg7[%dma_start3A_102, %dma_start3A_103, %dma_start3A_104] : memref<2x128x128xf32, #tpu.memory_space<vmem>> -> memref<1x128x128xf32, #tpu.memory_space<vmem>>
      %dma_start3A_106 = tpu.memref_squeeze %dma_start3A_105 : memref<1x128x128xf32, #tpu.memory_space<vmem>> -> memref<128x128xf32, #tpu.memory_space<vmem>>
      %dma_start3A_107 = arith.constant 0 : i32
      %dma_start3A_108 = tpu.memref_slice %arg6[%dma_start3A_101, %add3A_60, %dma_start3A_107] : memref<4x56x128xi32, #tpu.memory_space<vmem>> -> memref<1x1x128xi32, #tpu.memory_space<vmem>>
      %dma_start3A_109 = tpu.memref_squeeze %dma_start3A_108 : memref<1x1x128xi32, #tpu.memory_space<vmem>> -> memref<128xi32, #tpu.memory_space<vmem>>
      %dma_start3A_110 = arith.constant 0 : i32
      %dma_start3A_111 = arith.constant 0 : i32
      %dma_start3A_112 = tpu.memref_slice %arg5[%dma_start3A_110, %dma_start3A_111] : memref<144x128xf32, #tpu.memory_space<vmem_shared>> -> memref<144x128xf32, #tpu.memory_space<vmem_shared>>
      tpu.enqueue_indirect_dma source(%dma_start3A_112 : memref<144x128xf32, #tpu.memory_space<vmem_shared>>) target(%dma_start3A_106 : memref<128x128xf32, #tpu.memory_space<vmem>>) offsets(%dma_start3A_109 : memref<128xi32, #tpu.memory_space<vmem>>) semaphore(%arg9 : memref<!tpu.dma_semaphore, #tpu.memory_space<semaphore_mem>>) {add = true}
      %dma_start3A_113 = arith.constant 3 : i32
      %dma_start3A_114 = arith.constant 0 : i32
      %dma_start3A_115 = arith.constant 0 : i32
      %dma_start3A_116 = arith.constant 0 : i32
      %dma_start3A_117 = tpu.memref_slice %arg7[%dma_start3A_114, %dma_start3A_115, %dma_start3A_116] : memref<2x128x128xf32, #tpu.memory_space<vmem>> -> memref<1x128x128xf32, #tpu.memory_space<vmem>>
      %dma_start3A_118 = tpu.memref_squeeze %dma_start3A_117 : memref<1x128x128xf32, #tpu.memory_space<vmem>> -> memref<128x128xf32, #tpu.memory_space<vmem>>
      %dma_start3A_119 = arith.constant 0 : i32
      %dma_start3A_120 = tpu.memref_slice %arg6[%dma_start3A_113, %add3A_60, %dma_start3A_119] : memref<4x56x128xi32, #tpu.memory_space<vmem>> -> memref<1x1x128xi32, #tpu.memory_space<vmem>>
      %dma_start3A_121 = tpu.memref_squeeze %dma_start3A_120 : memref<1x1x128xi32, #tpu.memory_space<vmem>> -> memref<128xi32, #tpu.memory_space<vmem>>
      %dma_start3A_122 = arith.constant 0 : i32
      %dma_start3A_123 = arith.constant 0 : i32
      %dma_start3A_124 = tpu.memref_slice %arg5[%dma_start3A_122, %dma_start3A_123] : memref<144x128xf32, #tpu.memory_space<vmem_shared>> -> memref<144x128xf32, #tpu.memory_space<vmem_shared>>
      tpu.enqueue_indirect_dma source(%dma_start3A_124 : memref<144x128xf32, #tpu.memory_space<vmem_shared>>) target(%dma_start3A_118 : memref<128x128xf32, #tpu.memory_space<vmem>>) offsets(%dma_start3A_121 : memref<128xi32, #tpu.memory_space<vmem>>) semaphore(%arg9 : memref<!tpu.dma_semaphore, #tpu.memory_space<semaphore_mem>>) {add = true}
      %dma_wait3A_125 = arith.constant 1 : i32
      %dma_wait3A_126 = arith.constant 0 : i32
      %dma_wait3A_127 = arith.constant 0 : i32
      %dma_wait3A_128 = arith.constant 0 : i32
      %dma_wait3A_129 = tpu.memref_slice %arg7[%dma_wait3A_126, %dma_wait3A_127, %dma_wait3A_128] : memref<2x128x128xf32, #tpu.memory_space<vmem>> -> memref<1x128x128xf32, #tpu.memory_space<vmem>>
      %dma_wait3A_130 = tpu.memref_squeeze %dma_wait3A_129 : memref<1x128x128xf32, #tpu.memory_space<vmem>> -> memref<128x128xf32, #tpu.memory_space<vmem>>
      %dma_wait3A_131 = arith.constant 0 : i32
      %dma_wait3A_132 = tpu.memref_slice %arg6[%dma_wait3A_125, %add3A_60, %dma_wait3A_131] : memref<4x56x128xi32, #tpu.memory_space<vmem>> -> memref<1x1x128xi32, #tpu.memory_space<vmem>>
      %dma_wait3A_133 = tpu.memref_squeeze %dma_wait3A_132 : memref<1x1x128xi32, #tpu.memory_space<vmem>> -> memref<128xi32, #tpu.memory_space<vmem>>
      %dma_wait3A_134 = arith.constant 0 : i32
      %dma_wait3A_135 = arith.constant 0 : i32
      %dma_wait3A_136 = tpu.memref_slice %arg5[%dma_wait3A_134, %dma_wait3A_135] : memref<144x128xf32, #tpu.memory_space<vmem_shared>> -> memref<144x128xf32, #tpu.memory_space<vmem_shared>>
      tpu.wait_indirect_dma semaphore(%arg9 : memref<!tpu.dma_semaphore, #tpu.memory_space<semaphore_mem>>) src(%dma_wait3A_136 : memref<144x128xf32, #tpu.memory_space<vmem_shared>>) dst(%dma_wait3A_130 : memref<128x128xf32, #tpu.memory_space<vmem>>)
      %dma_wait3A_137 = arith.constant 2 : i32
      %dma_wait3A_138 = arith.constant 0 : i32
      %dma_wait3A_139 = arith.constant 0 : i32
      %dma_wait3A_140 = arith.constant 0 : i32
      %dma_wait3A_141 = tpu.memref_slice %arg7[%dma_wait3A_138, %dma_wait3A_139, %dma_wait3A_140] : memref<2x128x128xf32, #tpu.memory_space<vmem>> -> memref<1x128x128xf32, #tpu.memory_space<vmem>>
      %dma_wait3A_142 = tpu.memref_squeeze %dma_wait3A_141 : memref<1x128x128xf32, #tpu.memory_space<vmem>> -> memref<128x128xf32, #tpu.memory_space<vmem>>
      %dma_wait3A_143 = arith.constant 0 : i32
      %dma_wait3A_144 = tpu.memref_slice %arg6[%dma_wait3A_137, %add3A_60, %dma_wait3A_143] : memref<4x56x128xi32, #tpu.memory_space<vmem>> -> memref<1x1x128xi32, #tpu.memory_space<vmem>>
      %dma_wait3A_145 = tpu.memref_squeeze %dma_wait3A_144 : memref<1x1x128xi32, #tpu.memory_space<vmem>> -> memref<128xi32, #tpu.memory_space<vmem>>
      %dma_wait3A_146 = arith.constant 0 : i32
      %dma_wait3A_147 = arith.constant 0 : i32
      %dma_wait3A_148 = tpu.memref_slice %arg5[%dma_wait3A_146, %dma_wait3A_147] : memref<144x128xf32, #tpu.memory_space<vmem_shared>> -> memref<144x128xf32, #tpu.memory_space<vmem_shared>>
      tpu.wait_indirect_dma semaphore(%arg9 : memref<!tpu.dma_semaphore, #tpu.memory_space<semaphore_mem>>) src(%dma_wait3A_148 : memref<144x128xf32, #tpu.memory_space<vmem_shared>>) dst(%dma_wait3A_142 : memref<128x128xf32, #tpu.memory_space<vmem>>)
      %dma_wait3A_149 = arith.constant 3 : i32
      %dma_wait3A_150 = arith.constant 0 : i32
      %dma_wait3A_151 = arith.constant 0 : i32
      %dma_wait3A_152 = arith.constant 0 : i32
      %dma_wait3A_153 = tpu.memref_slice %arg7[%dma_wait3A_150, %dma_wait3A_151, %dma_wait3A_152] : memref<2x128x128xf32, #tpu.memory_space<vmem>> -> memref<1x128x128xf32, #tpu.memory_space<vmem>>
      %dma_wait3A_154 = tpu.memref_squeeze %dma_wait3A_153 : memref<1x128x128xf32, #tpu.memory_space<vmem>> -> memref<128x128xf32, #tpu.memory_space<vmem>>
      %dma_wait3A_155 = arith.constant 0 : i32
      %dma_wait3A_156 = tpu.memref_slice %arg6[%dma_wait3A_149, %add3A_60, %dma_wait3A_155] : memref<4x56x128xi32, #tpu.memory_space<vmem>> -> memref<1x1x128xi32, #tpu.memory_space<vmem>>
      %dma_wait3A_157 = tpu.memref_squeeze %dma_wait3A_156 : memref<1x1x128xi32, #tpu.memory_space<vmem>> -> memref<128xi32, #tpu.memory_space<vmem>>
      %dma_wait3A_158 = arith.constant 0 : i32
      %dma_wait3A_159 = arith.constant 0 : i32
      %dma_wait3A_160 = tpu.memref_slice %arg5[%dma_wait3A_158, %dma_wait3A_159] : memref<144x128xf32, #tpu.memory_space<vmem_shared>> -> memref<144x128xf32, #tpu.memory_space<vmem_shared>>
      tpu.wait_indirect_dma semaphore(%arg9 : memref<!tpu.dma_semaphore, #tpu.memory_space<semaphore_mem>>) src(%dma_wait3A_160 : memref<144x128xf32, #tpu.memory_space<vmem_shared>>) dst(%dma_wait3A_154 : memref<128x128xf32, #tpu.memory_space<vmem>>)
      %mul3A_161 = arith.constant 4096 : i32
      %mul3A_162 = arith.muli %add3A_60, %mul3A_161 : i32
      %mul3A_163 = arith.constant 128 : i32
      %mul3A_164 = arith.muli %add3A, %mul3A_163 : i32
      %add3A_165 = arith.addi %mul3A_162, %mul3A_164 : i32
      %dma_start3A_166 = arith.constant 0 : i32
      %dma_start3A_167 = arith.constant 0 : i32
      %dma_start3A_168 = arith.constant 0 : i32
      %dma_start3A_169 = arith.constant 0 : i32
      %dma_start3A_170 = tpu.memref_slice %arg7[%dma_start3A_166, %dma_start3A_168, %dma_start3A_169] : memref<2x128x128xf32, #tpu.memory_space<vmem>> -> memref<1x128x128xf32, #tpu.memory_space<vmem>>
      %dma_start3A_171 = tpu.memref_squeeze %dma_start3A_170 : memref<1x128x128xf32, #tpu.memory_space<vmem>> -> memref<128x128xf32, #tpu.memory_space<vmem>>
      %dma_start3A_172 = arith.constant 0 : i32
      %dma_start3A_173 = tpu.memref_slice %arg4[%add3A_165, %dma_start3A_172] : memref<204800x128xf32, #tpu.memory_space<hbm>> -> memref<128x128xf32, #tpu.memory_space<hbm>>
      %dma_start3A_174 = tpu.memref_slice %arg10[%dma_start3A_167] : memref<2x!tpu.dma_semaphore, #tpu.memory_space<semaphore_mem>> -> memref<1x!tpu.dma_semaphore, #tpu.memory_space<semaphore_mem>>
      %dma_start3A_175 = tpu.memref_squeeze %dma_start3A_174 : memref<1x!tpu.dma_semaphore, #tpu.memory_space<semaphore_mem>> -> memref<!tpu.dma_semaphore, #tpu.memory_space<semaphore_mem>>
      %dma_start3A_176 = arith.constant 0 : i32
      %dma_start3A_177 = tpu.memref_slice %arg4[%add3A_165, %dma_start3A_176] : memref<204800x128xf32, #tpu.memory_space<hbm>> -> memref<128x128xf32, #tpu.memory_space<hbm>>
      %dma_start3A_178 = arith.constant 0 : i32
      %dma_start3A_179 = arith.constant 0 : i32
      %dma_start3A_180 = tpu.memref_slice %arg7[%dma_start3A_166, %dma_start3A_178, %dma_start3A_179] : memref<2x128x128xf32, #tpu.memory_space<vmem>> -> memref<1x128x128xf32, #tpu.memory_space<vmem>>
      %dma_start3A_181 = tpu.memref_squeeze %dma_start3A_180 : memref<1x128x128xf32, #tpu.memory_space<vmem>> -> memref<128x128xf32, #tpu.memory_space<vmem>>
      tpu.enqueue_dma source(%dma_start3A_181 : memref<128x128xf32, #tpu.memory_space<vmem>>) target(%dma_start3A_177 : memref<128x128xf32, #tpu.memory_space<hbm>>) target_semaphore(%dma_start3A_175 : memref<!tpu.dma_semaphore, #tpu.memory_space<semaphore_mem>>)
      %mul3A_182 = arith.constant 2 : i32
      %mul3A_183 = arith.muli %scan3A_56, %mul3A_182 : i32
      %add3A_184 = arith.constant 1 : i32
      %add3A_185 = arith.addi %mul3A_183, %add3A_184 : i32
      %ge3A_186 = arith.constant 1 : i32
      %ge3A_187 = arith.cmpi sge, %scan3A_56, %ge3A_186 : i32
      %convert_element_type3A_188 = arith.extui %ge3A_187 : i1 to i32
      %cond3A_189 = arith.constant 0 : i32
      %cond3A_190 = arith.cmpi ne, %convert_element_type3A_188, %cond3A_189 : i32
      scf.if %cond3A_190 {
        %dma_wait3A_308 = arith.constant 1 : i32
        %dma_wait3A_309 = arith.constant 1 : i32
        %dma_wait3A_310 = arith.constant 0 : i32
        %dma_wait3A_311 = arith.constant 0 : i32
        %dma_wait3A_312 = tpu.memref_slice %arg7[%dma_wait3A_308, %dma_wait3A_310, %dma_wait3A_311] : memref<2x128x128xf32, #tpu.memory_space<vmem>> -> memref<1x128x128xf32, #tpu.memory_space<vmem>>
        %dma_wait3A_313 = tpu.memref_squeeze %dma_wait3A_312 : memref<1x128x128xf32, #tpu.memory_space<vmem>> -> memref<128x128xf32, #tpu.memory_space<vmem>>
        %dma_wait3A_314 = arith.constant 0 : i32
        %dma_wait3A_315 = arith.constant 0 : i32
        %dma_wait3A_316 = tpu.memref_slice %arg4[%dma_wait3A_314, %dma_wait3A_315] : memref<204800x128xf32, #tpu.memory_space<hbm>> -> memref<128x128xf32, #tpu.memory_space<hbm>>
        %dma_wait3A_317 = tpu.memref_slice %arg10[%dma_wait3A_309] : memref<2x!tpu.dma_semaphore, #tpu.memory_space<semaphore_mem>> -> memref<1x!tpu.dma_semaphore, #tpu.memory_space<semaphore_mem>>
        %dma_wait3A_318 = tpu.memref_squeeze %dma_wait3A_317 : memref<1x!tpu.dma_semaphore, #tpu.memory_space<semaphore_mem>> -> memref<!tpu.dma_semaphore, #tpu.memory_space<semaphore_mem>>
        %dma_wait3A_319 = arith.constant 0 : i32
        %dma_wait3A_320 = arith.constant 0 : i32
        %dma_wait3A_321 = tpu.memref_slice %arg7[%dma_wait3A_308, %dma_wait3A_319, %dma_wait3A_320] : memref<2x128x128xf32, #tpu.memory_space<vmem>> -> memref<1x128x128xf32, #tpu.memory_space<vmem>>
        %dma_wait3A_322 = tpu.memref_squeeze %dma_wait3A_321 : memref<1x128x128xf32, #tpu.memory_space<vmem>> -> memref<128x128xf32, #tpu.memory_space<vmem>>
        %dma_wait3A_323 = arith.constant 0 : i32
        %dma_wait3A_324 = arith.constant 0 : i32
        %dma_wait3A_325 = tpu.memref_slice %arg4[%dma_wait3A_323, %dma_wait3A_324] : memref<204800x128xf32, #tpu.memory_space<hbm>> -> memref<128x128xf32, #tpu.memory_space<hbm>>
        tpu.wait_dma2 semaphore(%dma_wait3A_318 : memref<!tpu.dma_semaphore, #tpu.memory_space<semaphore_mem>>) src(%dma_wait3A_325 : memref<128x128xf32, #tpu.memory_space<hbm>>) dst(%dma_wait3A_322 : memref<128x128xf32, #tpu.memory_space<vmem>>)
      } else {
      }
      %dma_start3A_191 = arith.constant 0 : i32
      %dma_start3A_192 = arith.constant 1 : i32
      %dma_start3A_193 = arith.constant 0 : i32
      %dma_start3A_194 = arith.constant 0 : i32
      %dma_start3A_195 = tpu.memref_slice %arg7[%dma_start3A_192, %dma_start3A_193, %dma_start3A_194] : memref<2x128x128xf32, #tpu.memory_space<vmem>> -> memref<1x128x128xf32, #tpu.memory_space<vmem>>
      %dma_start3A_196 = tpu.memref_squeeze %dma_start3A_195 : memref<1x128x128xf32, #tpu.memory_space<vmem>> -> memref<128x128xf32, #tpu.memory_space<vmem>>
      %dma_start3A_197 = arith.constant 0 : i32
      %dma_start3A_198 = tpu.memref_slice %arg6[%dma_start3A_191, %add3A_185, %dma_start3A_197] : memref<4x56x128xi32, #tpu.memory_space<vmem>> -> memref<1x1x128xi32, #tpu.memory_space<vmem>>
      %dma_start3A_199 = tpu.memref_squeeze %dma_start3A_198 : memref<1x1x128xi32, #tpu.memory_space<vmem>> -> memref<128xi32, #tpu.memory_space<vmem>>
      %dma_start3A_200 = arith.constant 0 : i32
      %dma_start3A_201 = arith.constant 0 : i32
      %dma_start3A_202 = tpu.memref_slice %arg5[%dma_start3A_200, %dma_start3A_201] : memref<144x128xf32, #tpu.memory_space<vmem_shared>> -> memref<144x128xf32, #tpu.memory_space<vmem_shared>>
      tpu.enqueue_indirect_dma source(%dma_start3A_202 : memref<144x128xf32, #tpu.memory_space<vmem_shared>>) target(%dma_start3A_196 : memref<128x128xf32, #tpu.memory_space<vmem>>) offsets(%dma_start3A_199 : memref<128xi32, #tpu.memory_space<vmem>>) semaphore(%arg9 : memref<!tpu.dma_semaphore, #tpu.memory_space<semaphore_mem>>)
      %dma_wait3A_203 = arith.constant 0 : i32
      %dma_wait3A_204 = arith.constant 1 : i32
      %dma_wait3A_205 = arith.constant 0 : i32
      %dma_wait3A_206 = arith.constant 0 : i32
      %dma_wait3A_207 = tpu.memref_slice %arg7[%dma_wait3A_204, %dma_wait3A_205, %dma_wait3A_206] : memref<2x128x128xf32, #tpu.memory_space<vmem>> -> memref<1x128x128xf32, #tpu.memory_space<vmem>>
      %dma_wait3A_208 = tpu.memref_squeeze %dma_wait3A_207 : memref<1x128x128xf32, #tpu.memory_space<vmem>> -> memref<128x128xf32, #tpu.memory_space<vmem>>
      %dma_wait3A_209 = arith.constant 0 : i32
      %dma_wait3A_210 = tpu.memref_slice %arg6[%dma_wait3A_203, %add3A_185, %dma_wait3A_209] : memref<4x56x128xi32, #tpu.memory_space<vmem>> -> memref<1x1x128xi32, #tpu.memory_space<vmem>>
      %dma_wait3A_211 = tpu.memref_squeeze %dma_wait3A_210 : memref<1x1x128xi32, #tpu.memory_space<vmem>> -> memref<128xi32, #tpu.memory_space<vmem>>
      %dma_wait3A_212 = arith.constant 0 : i32
      %dma_wait3A_213 = arith.constant 0 : i32
      %dma_wait3A_214 = tpu.memref_slice %arg5[%dma_wait3A_212, %dma_wait3A_213] : memref<144x128xf32, #tpu.memory_space<vmem_shared>> -> memref<144x128xf32, #tpu.memory_space<vmem_shared>>
      tpu.wait_indirect_dma semaphore(%arg9 : memref<!tpu.dma_semaphore, #tpu.memory_space<semaphore_mem>>) src(%dma_wait3A_214 : memref<144x128xf32, #tpu.memory_space<vmem_shared>>) dst(%dma_wait3A_208 : memref<128x128xf32, #tpu.memory_space<vmem>>)
      %dma_start3A_215 = arith.constant 1 : i32
      %dma_start3A_216 = arith.constant 1 : i32
      %dma_start3A_217 = arith.constant 0 : i32
      %dma_start3A_218 = arith.constant 0 : i32
      %dma_start3A_219 = tpu.memref_slice %arg7[%dma_start3A_216, %dma_start3A_217, %dma_start3A_218] : memref<2x128x128xf32, #tpu.memory_space<vmem>> -> memref<1x128x128xf32, #tpu.memory_space<vmem>>
      %dma_start3A_220 = tpu.memref_squeeze %dma_start3A_219 : memref<1x128x128xf32, #tpu.memory_space<vmem>> -> memref<128x128xf32, #tpu.memory_space<vmem>>
      %dma_start3A_221 = arith.constant 0 : i32
      %dma_start3A_222 = tpu.memref_slice %arg6[%dma_start3A_215, %add3A_185, %dma_start3A_221] : memref<4x56x128xi32, #tpu.memory_space<vmem>> -> memref<1x1x128xi32, #tpu.memory_space<vmem>>
      %dma_start3A_223 = tpu.memref_squeeze %dma_start3A_222 : memref<1x1x128xi32, #tpu.memory_space<vmem>> -> memref<128xi32, #tpu.memory_space<vmem>>
      %dma_start3A_224 = arith.constant 0 : i32
      %dma_start3A_225 = arith.constant 0 : i32
      %dma_start3A_226 = tpu.memref_slice %arg5[%dma_start3A_224, %dma_start3A_225] : memref<144x128xf32, #tpu.memory_space<vmem_shared>> -> memref<144x128xf32, #tpu.memory_space<vmem_shared>>
      tpu.enqueue_indirect_dma source(%dma_start3A_226 : memref<144x128xf32, #tpu.memory_space<vmem_shared>>) target(%dma_start3A_220 : memref<128x128xf32, #tpu.memory_space<vmem>>) offsets(%dma_start3A_223 : memref<128xi32, #tpu.memory_space<vmem>>) semaphore(%arg9 : memref<!tpu.dma_semaphore, #tpu.memory_space<semaphore_mem>>) {add = true}
      %dma_start3A_227 = arith.constant 2 : i32
      %dma_start3A_228 = arith.constant 1 : i32
      %dma_start3A_229 = arith.constant 0 : i32
      %dma_start3A_230 = arith.constant 0 : i32
      %dma_start3A_231 = tpu.memref_slice %arg7[%dma_start3A_228, %dma_start3A_229, %dma_start3A_230] : memref<2x128x128xf32, #tpu.memory_space<vmem>> -> memref<1x128x128xf32, #tpu.memory_space<vmem>>
      %dma_start3A_232 = tpu.memref_squeeze %dma_start3A_231 : memref<1x128x128xf32, #tpu.memory_space<vmem>> -> memref<128x128xf32, #tpu.memory_space<vmem>>
      %dma_start3A_233 = arith.constant 0 : i32
      %dma_start3A_234 = tpu.memref_slice %arg6[%dma_start3A_227, %add3A_185, %dma_start3A_233] : memref<4x56x128xi32, #tpu.memory_space<vmem>> -> memref<1x1x128xi32, #tpu.memory_space<vmem>>
      %dma_start3A_235 = tpu.memref_squeeze %dma_start3A_234 : memref<1x1x128xi32, #tpu.memory_space<vmem>> -> memref<128xi32, #tpu.memory_space<vmem>>
      %dma_start3A_236 = arith.constant 0 : i32
      %dma_start3A_237 = arith.constant 0 : i32
      %dma_start3A_238 = tpu.memref_slice %arg5[%dma_start3A_236, %dma_start3A_237] : memref<144x128xf32, #tpu.memory_space<vmem_shared>> -> memref<144x128xf32, #tpu.memory_space<vmem_shared>>
      tpu.enqueue_indirect_dma source(%dma_start3A_238 : memref<144x128xf32, #tpu.memory_space<vmem_shared>>) target(%dma_start3A_232 : memref<128x128xf32, #tpu.memory_space<vmem>>) offsets(%dma_start3A_235 : memref<128xi32, #tpu.memory_space<vmem>>) semaphore(%arg9 : memref<!tpu.dma_semaphore, #tpu.memory_space<semaphore_mem>>) {add = true}
      %dma_start3A_239 = arith.constant 3 : i32
      %dma_start3A_240 = arith.constant 1 : i32
      %dma_start3A_241 = arith.constant 0 : i32
      %dma_start3A_242 = arith.constant 0 : i32
      %dma_start3A_243 = tpu.memref_slice %arg7[%dma_start3A_240, %dma_start3A_241, %dma_start3A_242] : memref<2x128x128xf32, #tpu.memory_space<vmem>> -> memref<1x128x128xf32, #tpu.memory_space<vmem>>
      %dma_start3A_244 = tpu.memref_squeeze %dma_start3A_243 : memref<1x128x128xf32, #tpu.memory_space<vmem>> -> memref<128x128xf32, #tpu.memory_space<vmem>>
      %dma_start3A_245 = arith.constant 0 : i32
      %dma_start3A_246 = tpu.memref_slice %arg6[%dma_start3A_239, %add3A_185, %dma_start3A_245] : memref<4x56x128xi32, #tpu.memory_space<vmem>> -> memref<1x1x128xi32, #tpu.memory_space<vmem>>
      %dma_start3A_247 = tpu.memref_squeeze %dma_start3A_246 : memref<1x1x128xi32, #tpu.memory_space<vmem>> -> memref<128xi32, #tpu.memory_space<vmem>>
      %dma_start3A_248 = arith.constant 0 : i32
      %dma_start3A_249 = arith.constant 0 : i32
      %dma_start3A_250 = tpu.memref_slice %arg5[%dma_start3A_248, %dma_start3A_249] : memref<144x128xf32, #tpu.memory_space<vmem_shared>> -> memref<144x128xf32, #tpu.memory_space<vmem_shared>>
      tpu.enqueue_indirect_dma source(%dma_start3A_250 : memref<144x128xf32, #tpu.memory_space<vmem_shared>>) target(%dma_start3A_244 : memref<128x128xf32, #tpu.memory_space<vmem>>) offsets(%dma_start3A_247 : memref<128xi32, #tpu.memory_space<vmem>>) semaphore(%arg9 : memref<!tpu.dma_semaphore, #tpu.memory_space<semaphore_mem>>) {add = true}
      %dma_wait3A_251 = arith.constant 1 : i32
      %dma_wait3A_252 = arith.constant 1 : i32
      %dma_wait3A_253 = arith.constant 0 : i32
      %dma_wait3A_254 = arith.constant 0 : i32
      %dma_wait3A_255 = tpu.memref_slice %arg7[%dma_wait3A_252, %dma_wait3A_253, %dma_wait3A_254] : memref<2x128x128xf32, #tpu.memory_space<vmem>> -> memref<1x128x128xf32, #tpu.memory_space<vmem>>
      %dma_wait3A_256 = tpu.memref_squeeze %dma_wait3A_255 : memref<1x128x128xf32, #tpu.memory_space<vmem>> -> memref<128x128xf32, #tpu.memory_space<vmem>>
      %dma_wait3A_257 = arith.constant 0 : i32
      %dma_wait3A_258 = tpu.memref_slice %arg6[%dma_wait3A_251, %add3A_185, %dma_wait3A_257] : memref<4x56x128xi32, #tpu.memory_space<vmem>> -> memref<1x1x128xi32, #tpu.memory_space<vmem>>
      %dma_wait3A_259 = tpu.memref_squeeze %dma_wait3A_258 : memref<1x1x128xi32, #tpu.memory_space<vmem>> -> memref<128xi32, #tpu.memory_space<vmem>>
      %dma_wait3A_260 = arith.constant 0 : i32
      %dma_wait3A_261 = arith.constant 0 : i32
      %dma_wait3A_262 = tpu.memref_slice %arg5[%dma_wait3A_260, %dma_wait3A_261] : memref<144x128xf32, #tpu.memory_space<vmem_shared>> -> memref<144x128xf32, #tpu.memory_space<vmem_shared>>
      tpu.wait_indirect_dma semaphore(%arg9 : memref<!tpu.dma_semaphore, #tpu.memory_space<semaphore_mem>>) src(%dma_wait3A_262 : memref<144x128xf32, #tpu.memory_space<vmem_shared>>) dst(%dma_wait3A_256 : memref<128x128xf32, #tpu.memory_space<vmem>>)
      %dma_wait3A_263 = arith.constant 2 : i32
      %dma_wait3A_264 = arith.constant 1 : i32
      %dma_wait3A_265 = arith.constant 0 : i32
      %dma_wait3A_266 = arith.constant 0 : i32
      %dma_wait3A_267 = tpu.memref_slice %arg7[%dma_wait3A_264, %dma_wait3A_265, %dma_wait3A_266] : memref<2x128x128xf32, #tpu.memory_space<vmem>> -> memref<1x128x128xf32, #tpu.memory_space<vmem>>
      %dma_wait3A_268 = tpu.memref_squeeze %dma_wait3A_267 : memref<1x128x128xf32, #tpu.memory_space<vmem>> -> memref<128x128xf32, #tpu.memory_space<vmem>>
      %dma_wait3A_269 = arith.constant 0 : i32
      %dma_wait3A_270 = tpu.memref_slice %arg6[%dma_wait3A_263, %add3A_185, %dma_wait3A_269] : memref<4x56x128xi32, #tpu.memory_space<vmem>> -> memref<1x1x128xi32, #tpu.memory_space<vmem>>
      %dma_wait3A_271 = tpu.memref_squeeze %dma_wait3A_270 : memref<1x1x128xi32, #tpu.memory_space<vmem>> -> memref<128xi32, #tpu.memory_space<vmem>>
      %dma_wait3A_272 = arith.constant 0 : i32
      %dma_wait3A_273 = arith.constant 0 : i32
      %dma_wait3A_274 = tpu.memref_slice %arg5[%dma_wait3A_272, %dma_wait3A_273] : memref<144x128xf32, #tpu.memory_space<vmem_shared>> -> memref<144x128xf32, #tpu.memory_space<vmem_shared>>
      tpu.wait_indirect_dma semaphore(%arg9 : memref<!tpu.dma_semaphore, #tpu.memory_space<semaphore_mem>>) src(%dma_wait3A_274 : memref<144x128xf32, #tpu.memory_space<vmem_shared>>) dst(%dma_wait3A_268 : memref<128x128xf32, #tpu.memory_space<vmem>>)
      %dma_wait3A_275 = arith.constant 3 : i32
      %dma_wait3A_276 = arith.constant 1 : i32
      %dma_wait3A_277 = arith.constant 0 : i32
      %dma_wait3A_278 = arith.constant 0 : i32
      %dma_wait3A_279 = tpu.memref_slice %arg7[%dma_wait3A_276, %dma_wait3A_277, %dma_wait3A_278] : memref<2x128x128xf32, #tpu.memory_space<vmem>> -> memref<1x128x128xf32, #tpu.memory_space<vmem>>
      %dma_wait3A_280 = tpu.memref_squeeze %dma_wait3A_279 : memref<1x128x128xf32, #tpu.memory_space<vmem>> -> memref<128x128xf32, #tpu.memory_space<vmem>>
      %dma_wait3A_281 = arith.constant 0 : i32
      %dma_wait3A_282 = tpu.memref_slice %arg6[%dma_wait3A_275, %add3A_185, %dma_wait3A_281] : memref<4x56x128xi32, #tpu.memory_space<vmem>> -> memref<1x1x128xi32, #tpu.memory_space<vmem>>
      %dma_wait3A_283 = tpu.memref_squeeze %dma_wait3A_282 : memref<1x1x128xi32, #tpu.memory_space<vmem>> -> memref<128xi32, #tpu.memory_space<vmem>>
      %dma_wait3A_284 = arith.constant 0 : i32
      %dma_wait3A_285 = arith.constant 0 : i32
      %dma_wait3A_286 = tpu.memref_slice %arg5[%dma_wait3A_284, %dma_wait3A_285] : memref<144x128xf32, #tpu.memory_space<vmem_shared>> -> memref<144x128xf32, #tpu.memory_space<vmem_shared>>
      tpu.wait_indirect_dma semaphore(%arg9 : memref<!tpu.dma_semaphore, #tpu.memory_space<semaphore_mem>>) src(%dma_wait3A_286 : memref<144x128xf32, #tpu.memory_space<vmem_shared>>) dst(%dma_wait3A_280 : memref<128x128xf32, #tpu.memory_space<vmem>>)
      %mul3A_287 = arith.constant 4096 : i32
      %mul3A_288 = arith.muli %add3A_185, %mul3A_287 : i32
      %mul3A_289 = arith.constant 128 : i32
      %mul3A_290 = arith.muli %add3A, %mul3A_289 : i32
      %add3A_291 = arith.addi %mul3A_288, %mul3A_290 : i32
      %dma_start3A_292 = arith.constant 1 : i32
      %dma_start3A_293 = arith.constant 1 : i32
      %dma_start3A_294 = arith.constant 0 : i32
      %dma_start3A_295 = arith.constant 0 : i32
      %dma_start3A_296 = tpu.memref_slice %arg7[%dma_start3A_292, %dma_start3A_294, %dma_start3A_295] : memref<2x128x128xf32, #tpu.memory_space<vmem>> -> memref<1x128x128xf32, #tpu.memory_space<vmem>>
      %dma_start3A_297 = tpu.memref_squeeze %dma_start3A_296 : memref<1x128x128xf32, #tpu.memory_space<vmem>> -> memref<128x128xf32, #tpu.memory_space<vmem>>
      %dma_start3A_298 = arith.constant 0 : i32
      %dma_start3A_299 = tpu.memref_slice %arg4[%add3A_291, %dma_start3A_298] : memref<204800x128xf32, #tpu.memory_space<hbm>> -> memref<128x128xf32, #tpu.memory_space<hbm>>
      %dma_start3A_300 = tpu.memref_slice %arg10[%dma_start3A_293] : memref<2x!tpu.dma_semaphore, #tpu.memory_space<semaphore_mem>> -> memref<1x!tpu.dma_semaphore, #tpu.memory_space<semaphore_mem>>
      %dma_start3A_301 = tpu.memref_squeeze %dma_start3A_300 : memref<1x!tpu.dma_semaphore, #tpu.memory_space<semaphore_mem>> -> memref<!tpu.dma_semaphore, #tpu.memory_space<semaphore_mem>>
      %dma_start3A_302 = arith.constant 0 : i32
      %dma_start3A_303 = tpu.memref_slice %arg4[%add3A_291, %dma_start3A_302] : memref<204800x128xf32, #tpu.memory_space<hbm>> -> memref<128x128xf32, #tpu.memory_space<hbm>>
      %dma_start3A_304 = arith.constant 0 : i32
      %dma_start3A_305 = arith.constant 0 : i32
      %dma_start3A_306 = tpu.memref_slice %arg7[%dma_start3A_292, %dma_start3A_304, %dma_start3A_305] : memref<2x128x128xf32, #tpu.memory_space<vmem>> -> memref<1x128x128xf32, #tpu.memory_space<vmem>>
      %dma_start3A_307 = tpu.memref_squeeze %dma_start3A_306 : memref<1x128x128xf32, #tpu.memory_space<vmem>> -> memref<128x128xf32, #tpu.memory_space<vmem>>
      tpu.enqueue_dma source(%dma_start3A_307 : memref<128x128xf32, #tpu.memory_space<vmem>>) target(%dma_start3A_303 : memref<128x128xf32, #tpu.memory_space<hbm>>) target_semaphore(%dma_start3A_301 : memref<!tpu.dma_semaphore, #tpu.memory_space<semaphore_mem>>)
    }
    %scan3A_19 = arith.constant 25 : i32
    %dma_wait3A_20 = arith.constant 0 : i32
    %dma_wait3A_21 = arith.constant 0 : i32
    %dma_wait3A_22 = arith.constant 0 : i32
    %dma_wait3A_23 = arith.constant 0 : i32
    %dma_wait3A_24 = tpu.memref_slice %arg7[%dma_wait3A_20, %dma_wait3A_22, %dma_wait3A_23] : memref<2x128x128xf32, #tpu.memory_space<vmem>> -> memref<1x128x128xf32, #tpu.memory_space<vmem>>
    %dma_wait3A_25 = tpu.memref_squeeze %dma_wait3A_24 : memref<1x128x128xf32, #tpu.memory_space<vmem>> -> memref<128x128xf32, #tpu.memory_space<vmem>>
    %dma_wait3A_26 = arith.constant 0 : i32
    %dma_wait3A_27 = arith.constant 0 : i32
    %dma_wait3A_28 = tpu.memref_slice %arg4[%dma_wait3A_26, %dma_wait3A_27] : memref<204800x128xf32, #tpu.memory_space<hbm>> -> memref<128x128xf32, #tpu.memory_space<hbm>>
    %dma_wait3A_29 = tpu.memref_slice %arg10[%dma_wait3A_21] : memref<2x!tpu.dma_semaphore, #tpu.memory_space<semaphore_mem>> -> memref<1x!tpu.dma_semaphore, #tpu.memory_space<semaphore_mem>>
    %dma_wait3A_30 = tpu.memref_squeeze %dma_wait3A_29 : memref<1x!tpu.dma_semaphore, #tpu.memory_space<semaphore_mem>> -> memref<!tpu.dma_semaphore, #tpu.memory_space<semaphore_mem>>
    %dma_wait3A_31 = arith.constant 0 : i32
    %dma_wait3A_32 = arith.constant 0 : i32
    %dma_wait3A_33 = tpu.memref_slice %arg7[%dma_wait3A_20, %dma_wait3A_31, %dma_wait3A_32] : memref<2x128x128xf32, #tpu.memory_space<vmem>> -> memref<1x128x128xf32, #tpu.memory_space<vmem>>
    %dma_wait3A_34 = tpu.memref_squeeze %dma_wait3A_33 : memref<1x128x128xf32, #tpu.memory_space<vmem>> -> memref<128x128xf32, #tpu.memory_space<vmem>>
    %dma_wait3A_35 = arith.constant 0 : i32
    %dma_wait3A_36 = arith.constant 0 : i32
    %dma_wait3A_37 = tpu.memref_slice %arg4[%dma_wait3A_35, %dma_wait3A_36] : memref<204800x128xf32, #tpu.memory_space<hbm>> -> memref<128x128xf32, #tpu.memory_space<hbm>>
    tpu.wait_dma2 semaphore(%dma_wait3A_30 : memref<!tpu.dma_semaphore, #tpu.memory_space<semaphore_mem>>) src(%dma_wait3A_37 : memref<128x128xf32, #tpu.memory_space<hbm>>) dst(%dma_wait3A_34 : memref<128x128xf32, #tpu.memory_space<vmem>>)
    %dma_wait3A_38 = arith.constant 1 : i32
    %dma_wait3A_39 = arith.constant 1 : i32
    %dma_wait3A_40 = arith.constant 0 : i32
    %dma_wait3A_41 = arith.constant 0 : i32
    %dma_wait3A_42 = tpu.memref_slice %arg7[%dma_wait3A_38, %dma_wait3A_40, %dma_wait3A_41] : memref<2x128x128xf32, #tpu.memory_space<vmem>> -> memref<1x128x128xf32, #tpu.memory_space<vmem>>
    %dma_wait3A_43 = tpu.memref_squeeze %dma_wait3A_42 : memref<1x128x128xf32, #tpu.memory_space<vmem>> -> memref<128x128xf32, #tpu.memory_space<vmem>>
    %dma_wait3A_44 = arith.constant 0 : i32
    %dma_wait3A_45 = arith.constant 0 : i32
    %dma_wait3A_46 = tpu.memref_slice %arg4[%dma_wait3A_44, %dma_wait3A_45] : memref<204800x128xf32, #tpu.memory_space<hbm>> -> memref<128x128xf32, #tpu.memory_space<hbm>>
    %dma_wait3A_47 = tpu.memref_slice %arg10[%dma_wait3A_39] : memref<2x!tpu.dma_semaphore, #tpu.memory_space<semaphore_mem>> -> memref<1x!tpu.dma_semaphore, #tpu.memory_space<semaphore_mem>>
    %dma_wait3A_48 = tpu.memref_squeeze %dma_wait3A_47 : memref<1x!tpu.dma_semaphore, #tpu.memory_space<semaphore_mem>> -> memref<!tpu.dma_semaphore, #tpu.memory_space<semaphore_mem>>
    %dma_wait3A_49 = arith.constant 0 : i32
    %dma_wait3A_50 = arith.constant 0 : i32
    %dma_wait3A_51 = tpu.memref_slice %arg7[%dma_wait3A_38, %dma_wait3A_49, %dma_wait3A_50] : memref<2x128x128xf32, #tpu.memory_space<vmem>> -> memref<1x128x128xf32, #tpu.memory_space<vmem>>
    %dma_wait3A_52 = tpu.memref_squeeze %dma_wait3A_51 : memref<1x128x128xf32, #tpu.memory_space<vmem>> -> memref<128x128xf32, #tpu.memory_space<vmem>>
    %dma_wait3A_53 = arith.constant 0 : i32
    %dma_wait3A_54 = arith.constant 0 : i32
    %dma_wait3A_55 = tpu.memref_slice %arg4[%dma_wait3A_53, %dma_wait3A_54] : memref<204800x128xf32, #tpu.memory_space<hbm>> -> memref<128x128xf32, #tpu.memory_space<hbm>>
    tpu.wait_dma2 semaphore(%dma_wait3A_48 : memref<!tpu.dma_semaphore, #tpu.memory_space<semaphore_mem>>) src(%dma_wait3A_55 : memref<128x128xf32, #tpu.memory_space<hbm>>) dst(%dma_wait3A_52 : memref<128x128xf32, #tpu.memory_space<vmem>>)
    return
  }
}

module attributes {stable_mosaic.version = 14 : i64} {
  func.func @_premul_body(%arg0: memref<144x128xf32, #tpu.memory_space<vmem>>, %arg1: memref<128x128xf32, #tpu.memory_space<vmem>>, %arg2: memref<144x128xf32, #tpu.memory_space<vmem>>) attributes {dimension_semantics = [], scalar_prefetch = 0 : i64, scratch_operands = 0 : i64, tpu.core_type = #tpu.core_type<tc>} {
    %get3A = arith.constant 0 : index
    %get3A_0 = arith.constant 0 : index
    %get3A_1 = vector.load %arg0[%get3A, %get3A_0] : memref<144x128xf32, #tpu.memory_space<vmem>>, vector<144x128xf32>
    %get3A_2 = arith.constant 0 : index
    %get3A_3 = arith.constant 0 : index
    %get3A_4 = vector.load %arg1[%get3A_2, %get3A_3] : memref<128x128xf32, #tpu.memory_space<vmem>>, vector<128x128xf32>
    %dot_general3A = arith.constant dense<0.000000e+00> : vector<144x128xf32>
    %dot_general3A_5 = tpu.matmul %get3A_1, %get3A_4, %dot_general3A {dimension_numbers = #tpu.dot_dimension_numbers<[1], [0], [0], [1], [0, 0, 1, 1], [], []>, transpose_lhs_hint = false} : vector<144x128xf32>, vector<128x128xf32>, vector<144x128xf32> -> vector<144x128xf32>
    %swap3A = arith.constant 0 : index
    %swap3A_6 = arith.constant 0 : index
    %swap3A_7 = vector.load %arg2[%swap3A, %swap3A_6] : memref<144x128xf32, #tpu.memory_space<vmem>>, vector<144x128xf32>
    tpu.vector_store %arg2[%swap3A, %swap3A_6], %dot_general3A_5 {strides = array<i32>} : memref<144x128xf32, #tpu.memory_space<vmem>>, vector<144x128xf32>,
    return
  }
}

module attributes {stable_mosaic.version = 14 : i64} {
  func.func @_pack_idx_body(%arg0: i32, %arg1: memref<50x512xi32, #tpu.memory_space<vmem>>, %arg2: memref<50x512xi32, #tpu.memory_space<vmem>>, %arg3: memref<50x512xi32, #tpu.memory_space<vmem>>, %arg4: memref<50x512xi32, #tpu.memory_space<vmem>>, %arg5: memref<4x56x512xi32, #tpu.memory_space<vmem>>) attributes {dimension_semantics = [#tpu.dimension_semantics<arbitrary>], iteration_bounds = array<i64: 8>, scalar_prefetch = 0 : i64, scratch_operands = 0 : i64, tpu.core_type = #tpu.core_type<tc>, window_params = [{transform_indices = @transform_0, window_bounds = array<i64: 50, 512>}, {transform_indices = @transform_1, window_bounds = array<i64: 50, 512>}, {transform_indices = @transform_2, window_bounds = array<i64: 50, 512>}, {transform_indices = @transform_3, window_bounds = array<i64: 50, 512>}, {transform_indices = @transform_4, window_bounds = array<i64: 4, 56, 512>}]} {
    %get3A = arith.constant 0 : index
    %get3A_0 = arith.constant 0 : index
    %get3A_1 = vector.load %arg1[%get3A, %get3A_0] : memref<50x512xi32, #tpu.memory_space<vmem>>, vector<50x512xi32>
    %swap3A = arith.constant 0 : index
    %swap3A_2 = arith.constant 0 : index
    %swap3A_3 = arith.constant 0 : index
    %swap3A_4 = vector.load %arg5[%swap3A, %swap3A_2, %swap3A_3] : memref<4x56x512xi32, #tpu.memory_space<vmem>>, vector<1x50x512xi32>
    %swap3A_5 = vector.shape_cast %swap3A_4 : vector<1x50x512xi32> to vector<50x512xi32>
    %swap3A_6 = vector.shape_cast %get3A_1 : vector<50x512xi32> to vector<1x50x512xi32>
    tpu.vector_store %arg5[%swap3A, %swap3A_2, %swap3A_3], %swap3A_6 {strides = array<i32>} : memref<4x56x512xi32, #tpu.memory_space<vmem>>, vector<1x50x512xi32>,
    %get3A_7 = arith.constant 0 : index
    %get3A_8 = arith.constant 0 : index
    %get3A_9 = vector.load %arg2[%get3A_7, %get3A_8] : memref<50x512xi32, #tpu.memory_space<vmem>>, vector<50x512xi32>
    %add3A = arith.constant 64 : i32
    %add3A_10 = vector.broadcast %add3A : i32 to vector<50x512xi32>
    %add3A_11 = arith.addi %get3A_9, %add3A_10 : vector<50x512xi32>
    %swap3A_12 = arith.constant 1 : index
    %swap3A_13 = arith.constant 0 : index
    %swap3A_14 = arith.constant 0 : index
    %swap3A_15 = vector.load %arg5[%swap3A_12, %swap3A_13, %swap3A_14] : memref<4x56x512xi32, #tpu.memory_space<vmem>>, vector<1x50x512xi32>
    %swap3A_16 = vector.shape_cast %swap3A_15 : vector<1x50x512xi32> to vector<50x512xi32>
    %swap3A_17 = vector.shape_cast %add3A_11 : vector<50x512xi32> to vector<1x50x512xi32>
    tpu.vector_store %arg5[%swap3A_12, %swap3A_13, %swap3A_14], %swap3A_17 {strides = array<i32>} : memref<4x56x512xi32, #tpu.memory_space<vmem>>, vector<1x50x512xi32>,
    %get3A_18 = arith.constant 0 : index
    %get3A_19 = arith.constant 0 : index
    %get3A_20 = vector.load %arg3[%get3A_18, %get3A_19] : memref<50x512xi32, #tpu.memory_space<vmem>>, vector<50x512xi32>
    %add3A_21 = arith.constant 80 : i32
    %add3A_22 = vector.broadcast %add3A_21 : i32 to vector<50x512xi32>
    %add3A_23 = arith.addi %get3A_20, %add3A_22 : vector<50x512xi32>
    %swap3A_24 = arith.constant 2 : index
    %swap3A_25 = arith.constant 0 : index
    %swap3A_26 = arith.constant 0 : index
    %swap3A_27 = vector.load %arg5[%swap3A_24, %swap3A_25, %swap3A_26] : memref<4x56x512xi32, #tpu.memory_space<vmem>>, vector<1x50x512xi32>
    %swap3A_28 = vector.shape_cast %swap3A_27 : vector<1x50x512xi32> to vector<50x512xi32>
    %swap3A_29 = vector.shape_cast %add3A_23 : vector<50x512xi32> to vector<1x50x512xi32>
    tpu.vector_store %arg5[%swap3A_24, %swap3A_25, %swap3A_26], %swap3A_29 {strides = array<i32>} : memref<4x56x512xi32, #tpu.memory_space<vmem>>, vector<1x50x512xi32>,
    %get3A_30 = arith.constant 0 : index
    %get3A_31 = arith.constant 0 : index
    %get3A_32 = vector.load %arg4[%get3A_30, %get3A_31] : memref<50x512xi32, #tpu.memory_space<vmem>>, vector<50x512xi32>
    %add3A_33 = arith.constant 112 : i32
    %add3A_34 = vector.broadcast %add3A_33 : i32 to vector<50x512xi32>
    %add3A_35 = arith.addi %get3A_32, %add3A_34 : vector<50x512xi32>
    %swap3A_36 = arith.constant 3 : index
    %swap3A_37 = arith.constant 0 : index
    %swap3A_38 = arith.constant 0 : index
    %swap3A_39 = vector.load %arg5[%swap3A_36, %swap3A_37, %swap3A_38] : memref<4x56x512xi32, #tpu.memory_space<vmem>>, vector<1x50x512xi32>
    %swap3A_40 = vector.shape_cast %swap3A_39 : vector<1x50x512xi32> to vector<50x512xi32>
    %swap3A_41 = vector.shape_cast %add3A_35 : vector<50x512xi32> to vector<1x50x512xi32>
    tpu.vector_store %arg5[%swap3A_36, %swap3A_37, %swap3A_38], %swap3A_41 {strides = array<i32>} : memref<4x56x512xi32, #tpu.memory_space<vmem>>, vector<1x50x512xi32>,
    return
  }
  func.func @transform_0(%arg0: i32) -> (i32, i32) {
    %c0_i32 = arith.constant 0 : i32
    %c0_i32_0 = arith.constant 0 : i32
    return %c0_i32, %arg0 : i32, i32
  }
  func.func @transform_1(%arg0: i32) -> (i32, i32) {
    %c0_i32 = arith.constant 0 : i32
    %c0_i32_0 = arith.constant 0 : i32
    return %c0_i32, %arg0 : i32, i32
  }
  func.func @transform_2(%arg0: i32) -> (i32, i32) {
    %c0_i32 = arith.constant 0 : i32
    %c0_i32_0 = arith.constant 0 : i32
    return %c0_i32, %arg0 : i32, i32
  }
  func.func @transform_3(%arg0: i32) -> (i32, i32) {
    %c0_i32 = arith.constant 0 : i32
    %c0_i32_0 = arith.constant 0 : i32
    return %c0_i32, %arg0 : i32, i32
  }
  func.func @transform_4(%arg0: i32) -> (i32, i32, i32) {
    %c0_i32 = arith.constant 0 : i32
    %c0_i32_0 = arith.constant 0 : i32
    %c0_i32_1 = arith.constant 0 : i32
    return %c0_i32, %c0_i32_0, %arg0 : i32, i32, i32
  }
}

module attributes {stable_mosaic.version = 14 : i64} {
  func.func @_ln_body(%arg0: i32, %arg1: memref<8192x128xf32, #tpu.memory_space<vmem>>, %arg2: memref<1x128xf32, #tpu.memory_space<vmem>>, %arg3: memref<1x128xf32, #tpu.memory_space<vmem>>, %arg4: memref<1x128xf32, #tpu.memory_space<vmem>>, %arg5: memref<2x4096x128xf32, #tpu.memory_space<vmem>>) attributes {dimension_semantics = [#tpu.dimension_semantics<arbitrary>], iteration_bounds = array<i64: 25>, scalar_prefetch = 0 : i64, scratch_operands = 0 : i64, tpu.core_type = #tpu.core_type<tc>, window_params = [{transform_indices = @transform_0, window_bounds = array<i64: 8192, 128>}, {pipeline_mode = #tpu.pipeline_mode<synchronous>, transform_indices = @transform_1, window_bounds = array<i64: 1, 128>}, {pipeline_mode = #tpu.pipeline_mode<synchronous>, transform_indices = @transform_2, window_bounds = array<i64: 1, 128>}, {pipeline_mode = #tpu.pipeline_mode<synchronous>, transform_indices = @transform_3, window_bounds = array<i64: 1, 128>}, {transform_indices = @transform_4, window_bounds = array<i64: 2, 4096, 128>}]} {
    %get3A = arith.constant 0 : index
    %get3A_0 = arith.constant 0 : index
    %get3A_1 = vector.load %arg1[%get3A, %get3A_0] : memref<8192x128xf32, #tpu.memory_space<vmem>>, vector<8192x128xf32>
    %get3A_2 = arith.constant 0 : index
    %get3A_3 = arith.constant 0 : index
    %get3A_4 = vector.load %arg2[%get3A_2, %get3A_3] : memref<1x128xf32, #tpu.memory_space<vmem>>, vector<1x128xf32>
    %get3A_5 = vector.shape_cast %get3A_4 : vector<1x128xf32> to vector<128xf32>
    %broadcast_in_dim3A = vector.shape_cast %get3A_5 : vector<128xf32> to vector<1x128xf32>
    %add3A = vector.broadcast %broadcast_in_dim3A : vector<1x128xf32> to vector<8192x128xf32>
    %add3A_6 = arith.addf %get3A_1, %add3A : vector<8192x128xf32>
    %reduce_sum3A = arith.constant dense<0.000000e+00> : vector<8192xf32>
    %reduce_sum3A_7 = vector.multi_reduction <add>, %add3A_6, %reduce_sum3A [1] : vector<8192x128xf32> to vector<8192xf32>
    %broadcast_in_dim3A_8 = vector.shape_cast %reduce_sum3A_7 : vector<8192xf32> to vector<8192x1xf32>
    %div3A = arith.constant 1.280000e+02 : f32
    %div3A_9 = vector.broadcast %div3A : f32 to vector<8192x1xf32>
    %div3A_10 = arith.divf %broadcast_in_dim3A_8, %div3A_9 : vector<8192x1xf32>
    %sub3A = vector.broadcast %div3A_10 : vector<8192x1xf32> to vector<8192x128xf32>
    %sub3A_11 = arith.subf %add3A_6, %sub3A : vector<8192x128xf32>
    %mul3A = arith.mulf %sub3A_11, %sub3A_11 : vector<8192x128xf32>
    %reduce_sum3A_12 = arith.constant dense<0.000000e+00> : vector<8192xf32>
    %reduce_sum3A_13 = vector.multi_reduction <add>, %mul3A, %reduce_sum3A_12 [1] : vector<8192x128xf32> to vector<8192xf32>
    %broadcast_in_dim3A_14 = vector.shape_cast %reduce_sum3A_13 : vector<8192xf32> to vector<8192x1xf32>
    %div3A_15 = arith.constant 1.280000e+02 : f32
    %div3A_16 = vector.broadcast %div3A_15 : f32 to vector<8192x1xf32>
    %div3A_17 = arith.divf %broadcast_in_dim3A_14, %div3A_16 : vector<8192x1xf32>
    %add3A_18 = arith.constant 9.99999974E-6 : f32
    %add3A_19 = vector.broadcast %add3A_18 : f32 to vector<8192x1xf32>
    %add3A_20 = arith.addf %div3A_17, %add3A_19 : vector<8192x1xf32>
    %rsqrt3A = math.rsqrt %add3A_20 : vector<8192x1xf32>
    %mul3A_21 = vector.broadcast %rsqrt3A : vector<8192x1xf32> to vector<8192x128xf32>
    %mul3A_22 = arith.mulf %sub3A_11, %mul3A_21 : vector<8192x128xf32>
    %get3A_23 = arith.constant 0 : index
    %get3A_24 = arith.constant 0 : index
    %get3A_25 = vector.load %arg3[%get3A_23, %get3A_24] : memref<1x128xf32, #tpu.memory_space<vmem>>, vector<1x128xf32>
    %get3A_26 = vector.shape_cast %get3A_25 : vector<1x128xf32> to vector<128xf32>
    %broadcast_in_dim3A_27 = vector.shape_cast %get3A_26 : vector<128xf32> to vector<1x128xf32>
    %mul3A_28 = vector.broadcast %broadcast_in_dim3A_27 : vector<1x128xf32> to vector<8192x128xf32>
    %mul3A_29 = arith.mulf %mul3A_22, %mul3A_28 : vector<8192x128xf32>
    %get3A_30 = arith.constant 0 : index
    %get3A_31 = arith.constant 0 : index
    %get3A_32 = vector.load %arg4[%get3A_30, %get3A_31] : memref<1x128xf32, #tpu.memory_space<vmem>>, vector<1x128xf32>
    %get3A_33 = vector.shape_cast %get3A_32 : vector<1x128xf32> to vector<128xf32>
    %broadcast_in_dim3A_34 = vector.shape_cast %get3A_33 : vector<128xf32> to vector<1x128xf32>
    %add3A_35 = vector.broadcast %broadcast_in_dim3A_34 : vector<1x128xf32> to vector<8192x128xf32>
    %add3A_36 = arith.addf %mul3A_29, %add3A_35 : vector<8192x128xf32>
    %reshape3A = vector.shape_cast %add3A_36 : vector<8192x128xf32> to vector<2x4096x128xf32>
    %swap3A = arith.constant 0 : index
    %swap3A_37 = arith.constant 0 : index
    %swap3A_38 = arith.constant 0 : index
    %swap3A_39 = vector.load %arg5[%swap3A, %swap3A_37, %swap3A_38] : memref<2x4096x128xf32, #tpu.memory_space<vmem>>, vector<2x4096x128xf32>
    tpu.vector_store %arg5[%swap3A, %swap3A_37, %swap3A_38], %reshape3A {strides = array<i32>} : memref<2x4096x128xf32, #tpu.memory_space<vmem>>, vector<2x4096x128xf32>,
    return
  }
  func.func @transform_0(%arg0: i32) -> (i32, i32) {
    %c0_i32 = arith.constant 0 : i32
    %c0_i32_0 = arith.constant 0 : i32
    return %arg0, %c0_i32 : i32, i32
  }
  func.func @transform_1(%arg0: i32) -> (i32, i32) {
    %c0_i32 = arith.constant 0 : i32
    %c0_i32_0 = arith.constant 0 : i32
    %c0_i32_1 = arith.constant 0 : i32
    return %c0_i32, %c0_i32_0 : i32, i32
  }
  func.func @transform_2(%arg0: i32) -> (i32, i32) {
    %c0_i32 = arith.constant 0 : i32
    %c0_i32_0 = arith.constant 0 : i32
    %c0_i32_1 = arith.constant 0 : i32
    return %c0_i32, %c0_i32_0 : i32, i32
  }
  func.func @transform_3(%arg0: i32) -> (i32, i32) {
    %c0_i32 = arith.constant 0 : i32
    %c0_i32_0 = arith.constant 0 : i32
    %c0_i32_1 = arith.constant 0 : i32
    return %c0_i32, %c0_i32_0 : i32, i32
  }
  func.func @transform_4(%arg0: i32) -> (i32, i32, i32) {
    %c0_i32 = arith.constant 0 : i32
    %c0_i32_0 = arith.constant 0 : i32
    %c0_i32_1 = arith.constant 0 : i32
    return %arg0, %c0_i32, %c0_i32_0 : i32, i32, i32
  }
}

</mosaic_0001>

<sc_bundles>
// kernel: kernel.6.cloned.1.call-start
scs
__scs_entry_jumppad:
0x0: {  	(pc) =	sbr.rel $0x88, $3  }
0x1: {  	(tag) =	ssettag $0x0;
	lr =	simm.s32 $0x1  }
0x2: {  	[smem:$0x3F95] =	sst lr;
	_ =	strace $0xD0000000  }
0x3: {  	_ = 	snop  }
0x4: {  	_ = 	snop  }
0x5: {  	_ = 	snop  }
0x6: {  	_ = 	snop  }
0x7: {  	_ = 	snop  }
__scs_overlays_trampoline_lowered:
0x8: {  	[smem:$0x3FA4] =	sst s0  }
0x9: {  	[smem:$0x3FA5] =	sst s1  }
0xa: {  	[smem:$0x3FA6] =	sst s2  }
0xb: {  	[smem:$0x3FA7] =	sst s3  }
0xc: {  	[smem:$0x3FA8] =	sst s4  }
0xd: {  	[smem:$0x3FA9] =	sst s5  }
0xe: {  	[smem:$0x3FAA] =	sst s6  }
0xf: {  	[smem:$0x3FAB] =	sst s7  }
0x10: {  	[smem:$0x3FAC] =	sst s8  }
0x11: {  	[smem:$0x3FAD] =	sst s9;
	s0 =	simm.s32 @!p0 $0x0  }
0x12: {  	s1 =	sld [smem:$0x3F93];
	s0 =	simm.s32 @p0 $0x1  }
0x13: {  	[smem:$0x3FAE] =	sst s0;
	s0 =	simm.s32 @!p1 $0x0  }
0x14: {  	s2 =	sld [smem:$0x3F92];
	s0 =	simm.s32 @p1 $0x1  }
0x15: {  	[smem:$0x3FAF] =	sst s0;
	s0 =	simm.s32 @!p2 $0x0  }
0x16: {  	s3 =	sld [smem:$0x3FDB];
	s0 =	simm.s32 @p2 $0x1  }
0x17: {  	s4 =	simm.s32 $0x1BF5;
	[smem:$0x3FB1] =	sst s0  }
0x18: {  	s0 =	sld [smem:$0x3F94];
	_ =	swait.ge [sflag:s4], $0x0  }
0x19: {  	s7 =	sld [smem:$0x3F95]  }
0x1a: {  	s8 =	sadd.s32 $0xFFFFE003, lr  }
0x1b: {  	s9 =	sadd.s32 $0xFFFFFEF7, lr;
	s5 =	simm.s32 $0xFFFFFFFF;
	p2 =	slt.u32 s8, $0xFFFFF086  }
0x1c: {  	p1 =	slt.u32 s9, $0xF7A;
	s5 =	simm.s32 @!p2 $0x0  }
0x1d: {  	s5 =	simm.s32 @p1 $0x1;
	p0 =	seq.s32 s7, s2  }
0x1e: {  	s7 =	smul.u32 @!p0 $0xF7A, s2;
	p2 =	seq.s32 @!p0 s5, $0x0  }
0x1f: {  	s9 =	smul.u32 $0xF7A, s1;
	s8 =	simm.s32 @!p0 $0x1BF5;
	p2 =	por !p2, p0  }
0x20: {  	[sflag:s8] =	ssyncset.s32 @!p0 $0xFFFFF086;
	s6 =	sadd.s32 @!p0 s3, s7;
	s7 =	simm.s32 @!p0 $0x108  }
0x21: {  	s3 =	sadd.s32 s3, s9;
	s6 =	sadd.s32 @!p0 $0x88, s6;
	s7 =	simm.s32 @p2 $0x1082  }
0x22: {  	[simem:s7], [sflag:s8] =	dma.local @!p0 [hbm:s6], $0xF7A  }
0x23: {  	s9 =	sor.u32 $0xD0000000, s2;
	s6 =	simm.s32 $0x108;
	_ =	swait.ge @!p0 [sflag:s8], $0x0  }
0x24: {  	s3 =	sadd.s32 $0x88, s3;
	s6 =	simm.s32 @!p1 $0x1082;
	[sflag:s4] =	ssyncset.s32 $0xFFFFF086  }
0x25: {  	[simem:s6], [sflag:s4] =	dma.local [hbm:s3], $0xF7A  }
0x26: {  	[smem:$0x3F95] =	sst s1;
	(tag) =	ssettag s2;
	_ =	strace s9  }
0x27: {  	s1 =	sld [smem:$0x3FA5]  }
0x28: {  	s2 =	sld [smem:$0x3FA6]  }
0x29: {  	s4 =	sld [smem:$0x3FA8]  }
0x2a: {  	p0 =	seq.s32 s5, $0x0;
	s5 =	sld [smem:$0x3FA9]  }
0x2b: {  	s6 =	sld [smem:$0x3FAA]  }
0x2c: {  	s7 =	sld [smem:$0x3FAB]  }
0x2d: {  	s3 =	simm.s32 $0x108;
	s8 =	sld [smem:$0x3FAC]  }
0x2e: {  	s3 =	simm.s32 @!p0 $0x1082;
	s9 =	sld [smem:$0x3FAD]  }
0x2f: {  	lr =	sadd.s32 s0, s3;
	s0 =	sld [smem:$0x3FA4]  }
0x30: {  	s3 =	sld [smem:$0x3FA7]  }
0x31: {  	[smem:$0x3FB0] =	sst s10  }
0x32: {  	s10 =	sld [smem:$0x3FAE];
	_ =	sdelay $0x3  }
0x33: {  	p0 =	seq.s32 s10, $0x1;
	s10 =	sld [smem:$0x3FB0];
	_ =	sdelay $0x3  }
0x34: {  	[smem:$0x3FB0] =	sst s10  }
0x35: {  	s10 =	sld [smem:$0x3FAF];
	_ =	sdelay $0x3  }
0x36: {  	p1 =	seq.s32 s10, $0x1;
	s10 =	sld [smem:$0x3FB0];
	_ =	sdelay $0x3  }
0x37: {  	[smem:$0x3FB0] =	sst s10  }
0x38: {  	s10 =	sld [smem:$0x3FB1]  }
0x39: {  	_ = 	snop;
	(pc) =	sbr.ind lr, $3  }
0x3a: {  	_ = 	snop  }
0x3b: {  	_ = 	snop  }
0x3c: {  	p2 =	seq.s32 s10, $0x1;
	s10 =	sld [smem:$0x3FB0]  }
0x3d: {  	_ =	shalt  }
0x3e: {  	_ =	shalt  }
0x3f: {  	_ =	shalt  }
0x40: {  	_ =	shalt  }
0x41: {  	_ =	shalt  }
0x42: {  	_ =	shalt  }
0x43: {  	_ =	shalt  }
0x44: {  	_ =	shalt  }
0x45: {  	_ =	shalt  }
0x46: {  	_ =	shalt  }
0x47: {  	_ =	shalt  }
0x48: {  	_ =	shalt  }
0x49: {  	_ =	shalt  }
0x4a: {  	_ =	shalt  }
0x4b: {  	_ =	shalt  }
0x4c: {  	_ =	shalt  }
0x4d: {  	_ =	shalt  }
0x4e: {  	_ =	shalt  }
0x4f: {  	_ =	shalt  }
0x50: {  	_ =	shalt  }
0x51: {  	_ =	shalt  }
0x52: {  	_ =	shalt  }
0x53: {  	_ =	shalt  }
0x54: {  	_ =	shalt  }
0x55: {  	_ =	shalt  }
0x56: {  	_ =	shalt  }
0x57: {  	_ =	shalt  }
0x58: {  	_ =	shalt  }
0x59: {  	_ =	shalt  }
0x5a: {  	_ =	shalt  }
0x5b: {  	_ =	shalt  }
0x5c: {  	_ =	shalt  }
0x5d: {  	_ =	shalt  }
0x5e: {  	_ =	shalt  }
0x5f: {  	_ =	shalt  }
0x60: {  	_ =	shalt  }
0x61: {  	_ =	shalt  }
0x62: {  	_ =	shalt  }
0x63: {  	_ =	shalt  }
0x64: {  	_ =	shalt  }
0x65: {  	_ =	shalt  }
0x66: {  	_ =	shalt  }
0x67: {  	_ =	shalt  }
0x68: {  	_ =	shalt  }
0x69: {  	_ =	shalt  }
0x6a: {  	_ =	shalt  }
0x6b: {  	_ =	shalt  }
0x6c: {  	_ =	shalt  }
0x6d: {  	_ =	shalt  }
0x6e: {  	_ =	shalt  }
0x6f: {  	_ =	shalt  }
0x70: {  	_ =	shalt  }
0x71: {  	_ =	shalt  }
0x72: {  	_ =	shalt  }
0x73: {  	_ =	shalt  }
0x74: {  	_ =	shalt  }
0x75: {  	_ =	shalt  }
0x76: {  	_ =	shalt  }
0x77: {  	_ =	shalt  }
0x78: {  	_ =	shalt  }
0x79: {  	_ =	shalt  }
0x7a: {  	_ =	shalt  }
0x7b: {  	_ =	shalt  }
0x7c: {  	_ =	shalt  }
0x7d: {  	_ =	shalt  }
0x7e: {  	_ =	shalt  }
0x7f: {  	_ =	shalt  }
0x80: {  	_ =	shalt  }
0x81: {  	_ =	shalt  }
0x82: {  	_ =	shalt  }
0x83: {  	_ =	shalt  }
0x84: {  	_ =	shalt  }
0x85: {  	_ =	shalt  }
0x86: {  	_ =	shalt  }
0x87: {  	_ =	shalt  }
.Lfunc_end0:
.L_simem_size_0:
called_computation_lowered:
.L_overlay_start_0:
0x88: {  	s2 =	sld [smem:$0x3FD9]  }
0x89: {  	s3 =	sld [smem:$0x3FFE];
	_ =	sdelay $0x1  }
0x8a: {  	s1 =	srdreg.scid  }
0x8b: {  	s0 =	sand.u32 $0x1, s1  }
0x8c: {  	s17 =	sshll.u32 s0, $0xA;
	s2 =	sadd.s32 s3, s2  }
0x8d: {  	s2 =	sadd.s32 s2, s17  }
0x8e: {  	[smem:$0x3FBC] =	sst s2  }
0x8f: {  	_ = 	snop  }
0x90: {  	s2 =	sld [smem:$0x3FD0];
	(tm) =	ssettm $0x1  }
0x91: {  	s18 =	sld [smem:$0x3FFB];
	_ =	sdelay $0x3  }
0x92: {  	_ =	strace s18  }
0x93: {  	s3 =	sld [smem:$0x3FFC];
	_ =	sdelay $0x3  }
0x94: {  	_ =	strace s3  }
0x95: {  	s3 =	sld [smem:$0x3FFD];
	_ =	sdelay $0x3  }
0x96: {  	_ =	strace s3  }
0x97: {  	_ =	strace $0x8FFFFFFF  }
0x98: {  	s19 =	sld [smem:$0x3FDB];
	_ =	sdelay $0x1  }
0x99: {  	s4 =	simm.s32 $_scs_section_size  }
0x9a: {  	s5 =	simm.s32 $_size__tile_overlayer_lowered;
	s6 =	simm.s32 $_tile_overlayer_lowered  }
0x9b: {  	s22 =	simm.s32 $0x1BFF;
	s21 =	sshll.u32 s6, $0x1;
	s3 =	sadd.s32 s4, s19  }
0x9c: {  	s7 =	simm.s32 $0x0;
	s20 =	sshll.u32 s5, $0x1;
	s5 =	sadd.s32 s21, s3  }
0x9d: {  	[timem:s7], [sflag:s22] =	dma.local [hbm:s5], s20  }
0x9e: {  	_ =	swait.ge [sflag:s22], s20  }
0x9f: {  	s4 =	ssub.s32 $0x0, s20;
	[sflag:s22] =	ssyncset.done $0x0  }
0xa0: {  	[sflag:s22] =	ssyncadd.s32 s4;
	_ =	sdelay $0x1  }
0xa1: {  	s23 =	simm.s32 $0x1B8B  }
0xa2: {  	_ =	swait.ge [sflag:s23], $0x1  }
0xa3: {  	[sflag:s23] =	ssyncset.done $0x0  }
0xa4: {  	s25 =	simm.s32 $0x1B8E;
	s24 =	sld [smem:$0x3FFE];
	[sflag:s23] =	ssyncadd.s32 $0xFFFFFFFF  }
0xa5: {  	s26 =	simm.s32 $execute0_lowered;
	[smem:$0x3FD2] =	sst s25  }
0xa6: {  	s5 =	sshll.u32 s26, $0x1;
	_ =	strace $0x80000046;
	[dreg:$0x1] =	wrdreg $0xFFFFFFFF  }
0xa7: {  	s28 =	simm.s32 $_size_execute0_lowered;
	s3 =	sadd.s32 s3, s5;
	[dreg:$0x0] =	wrdreg $0x0  }
0xa8: {  	s5 =	sshll.u32 s28, $0x1;
	[dreg:$0x2] =	wrdreg s3  }
0xa9: {  	[dreg:$0x3] =	wrdreg s5  }
0xaa: {  	[dreg:$0x4] =	wrdreg $0xC0  }
0xab: {  	_ =	task [dreg:s7], $0x5FFFF  }
0xac: {  	[dreg:$0x1] =	wrdreg $0xFFFFFFFF  }
0xad: {  	[dreg:$0x0] =	wrdreg $0x60  }
0xae: {  	[dreg:$0x2] =	wrdreg s24  }
0xaf: {  	[dreg:$0x3] =	wrdreg s2  }
0xb0: {  	[dreg:$0x4] =	wrdreg $0x0  }
0xb1: {  	[dreg:$0x5] =	wrdreg $0x9  }
0xb2: {  	_ =	task.clear_ibuf [dreg:s7], $0x6FFFF;
	_ =	strace $0x90000046  }
0xb3: {  	s29 =	simm.s32 $0x9;
	_ =	strace $0x80000048  }
0xb4: {  	_ =	swait.ge [sflag:s29], $0x1  }
0xb5: {  	[sflag:s29] =	ssyncadd.s32 $0xFFFFFFFF  }
0xb6: {  	_ =	strace $0x90000048  }
0xb7: {  	_ =	sfence  }
0xb8: {  	s30 =	sld [smem:$0x0];
	_ =	sdelay $0x2  }
0xb9: {  	s31 =	sshll.u32 s1, $0xD;
	s1 =	sshrl.u32 s1, $0x2  }
0xba: {  	s3 =	sand.u32 $0x4000, s31;
	s1 =	sadd.s32 s1, s30  }
0xbb: {  	s0 =	sor.u32 s3, s0;
	s1 =	sshll.u32 s1, $0x11  }
0xbc: {  	s0 =	sor.u32 s1, s0  }
0xbd: {  	s0 =	sadd.s32 $0x8F2B, s0  }
0xbe: {  	[sflag:s0] =	ssyncadd.remote.s32 $0x1  }
0xbf: {  	_ =	sfence.sel $0xFFFF  }
0xc0: {  	[dreg:$0x0] =	wrdreg $0xFFFFFFFF;
	(pc) =	sbr.abs _section_cstart, $3  }
0xc1: {  	[dreg:$0x1] =	wrdreg $0xFFFFFFFF  }
0xc2: {  	_ =	task.clear_ibuf [dreg:s7], $0x2FFFF;
	_ =	strace $0x9FFFFFFF  }
0xc3: {  	(tm) =	ssettm $0x7FFFFFFF  }
tec
execute0_lowered:
.L_overlay_start_1:
0x0: {  	(tag) =	ssettag $0x1  }
0x1: {  	s4 =	rddreg [dreg:$0x0]  }
0x2: {  	s5 =	rddreg [dreg:$0x1]  }
0x3: {  	s1 =	rddreg [dreg:$0x2];
	s2 =	simm.s32 $0x0;
	s3 =	srdreg.scid  }
0x4: {  	s7 =	stileid.u32;
	s13 =	simm.s32 $0x1;
	s14 =	simm.s32 $0x80  }
0x5: {  	s15 =	simm.s32 $0x7480;
	s16 =	simm.s32 $0x2;
	s17 =	simm.s32 $0x2080  }
0x6: {  	s18 =	simm.s32 $0x3C80;
	s19 =	simm.s32 $0x5880;
	s20 =	simm.s32 $0x500  }
0x7: {  	s21 =	simm.s32 $0xB480;
	s22 =	simm.s32 $0x2100;
	s23 =	simm.s32 $0x3D00  }
0x8: {  	s24 =	simm.s32 $0x5900;
	s28 =	simm.s32 $0x0;
	[smem:$0x7FF] =	sst s2  }
0x9: {  	s6 =	sand.u32 $0x1, s3;
	s3 =	sadd.s32 $0x1800, s4;
	s10 =	sshll.u32 s7, $0x8  }
0xa: {  	s12 =	sadd.s32 $0x2200, s4;
	s29 =	sshll.u32 s7, $0xC;
	p0 =	sne.s32 s7, $0x0  }
0xb: {  	_ =	strace $0x80000047;
	s8 =	ssub.s32 $0x2, s6;
	s11 =	sshll.u32 s6, $0x7  }
0xc: {  	s30 =	sshll.u32 s6, $0xB;
	s9 =	sshrl.u32 s8, $0x1;
	s25 =	sor.u32 s11, s10  }
0xd: {  	s10 =	simm.s32 $0x400;
	s11 =	simm.s32 $0x8000;
	s8 =	ssub.s32 s8, s9  }
0xe: {  	s4 =	sadd.s32 s5, s25;
	s26 =	sshll.u32 s25, $0x4;
	s9 =	sadd.s32 s29, s12  }
0xf: {  	s25 =	simm.s32 $0x3;
	s5 =	sadd.s32 s12, s26;
	s6 =	smax.u32 s8, $0x1  }
0x10: {  	s31 =	sadd.s32 s30, s9;
	s9 =	sshrl.u32 @!p0 s1, $0x3;
	s12 =	simm.s32 $0x480  }
0x11: {  	s26 =	simm.s32 $0x4;
	s7 =	sadd.s32 $0x10000, s5;
	s8 =	sadd.s32 $0x20000, s31  }
.LBB2_1:
0x12: {  	s29 =	simm.s32 @!p0 $0x1C05  }
0x13: {  	[spmem:s9], [sflag:s29] =	dma.local @!p0 [hbm:s3], $0x900  }
0x14: {  	s29 =	simm.s32 @!p0 $0x5  }
0x15: {  	_ =	swait.ge @!p0 [sflag:s29], $0x900  }
0x16: {  	[sflag:s29] =	ssyncset.done @!p0 $0x0  }
0x17: {  	[sflag:s29] =	ssyncadd.s32 @!p0 $0xFFFFF700  }
0x18: {  	[bflag:$0x0] =	sbarrier.arrive $0xFFFF  }
0x19: {  	[tilespmem:s12], [sflag:$0x1] =	stream.strided.gather [hbm4b:s4+s10], $0x7000, s11, s10, $0x38;
	[tilespmem:$0xF480] =	vst v63  }
0x1a: {  	_ =	swait.ge [sflag:s13], $0x7000  }
0x1b: {  	[sflag:s13] =	ssyncset.done $0x0  }
0x1c: {  	[sflag:s13] =	ssyncadd.s32 $0xFFFF9000  }
0x1d: {  	[tilespmem:s15], [sflag:$0x2] =	stream.indirect.gather [spmem:s1], $0x80, s12, s14, $0xb8;
	[tilespmem:$0xF480] =	vst v63  }
0x1e: {  	_ =	swait.ge [sflag:s16], $0x4000  }
0x1f: {  	[sflag:s16] =	ssyncset.done $0x0  }
0x20: {  	[sflag:s16] =	ssyncadd.s32 $0xFFFFC000  }
0x21: {  	[tilespmem:s15], [sflag:$0x2] =	stream.indirect.gather.add.f32 [spmem:s1], $0x80, s17, s14, $0xb8;
	[tilespmem:$0xF480] =	vst v63  }
0x22: {  	_ = 	snop  }
0x23: {  	[tilespmem:s15], [sflag:$0x2] =	stream.indirect.gather.add.f32 [spmem:s1], $0x80, s18, s14, $0xb8;
	[tilespmem:$0xF480] =	vst v63  }
0x24: {  	_ = 	snop  }
0x25: {  	[tilespmem:s15], [sflag:$0x2] =	stream.indirect.gather.add.f32 [spmem:s1], $0x80, s19, s14, $0xb8;
	[tilespmem:$0xF480] =	vst v63  }
0x26: {  	_ =	swait.ge [sflag:s16], $0x4000  }
0x27: {  	[sflag:s16] =	ssyncset.done $0x0  }
0x28: {  	[sflag:s16] =	ssyncadd.s32 $0xFFFFC000  }
0x29: {  	_ =	swait.ge [sflag:s16], $0x4000  }
0x2a: {  	[sflag:s16] =	ssyncset.done $0x0  }
0x2b: {  	[sflag:s16] =	ssyncadd.s32 $0xFFFFC000  }
0x2c: {  	_ =	swait.ge [sflag:s16], $0x4000  }
0x2d: {  	[sflag:s16] =	ssyncset.done $0x0  }
0x2e: {  	[sflag:s16] =	ssyncadd.s32 $0xFFFFC000  }
0x2f: {  	[hbm4b:s5+s2] =	stream.linear.scatter [tilespmem:s15], [sflag:$0x3], $0x4000, $0x38;
	[tilespmem:$0xF480] =	vst v63  }
0x30: {  	_ = 	snop  }
0x31: {  	[tilespmem:s21], [sflag:$0x2] =	stream.indirect.gather [spmem:s1], $0x80, s20, s14, $0xb8;
	[tilespmem:$0xF480] =	vst v63  }
0x32: {  	_ =	swait.ge [sflag:s16], $0x4000  }
0x33: {  	[sflag:s16] =	ssyncset.done $0x0  }
0x34: {  	[sflag:s16] =	ssyncadd.s32 $0xFFFFC000  }
0x35: {  	[tilespmem:s21], [sflag:$0x2] =	stream.indirect.gather.add.f32 [spmem:s1], $0x80, s22, s14, $0xb8;
	[tilespmem:$0xF480] =	vst v63  }
0x36: {  	_ = 	snop  }
0x37: {  	[tilespmem:s21], [sflag:$0x2] =	stream.indirect.gather.add.f32 [spmem:s1], $0x80, s23, s14, $0xb8;
	[tilespmem:$0xF480] =	vst v63  }
0x38: {  	_ = 	snop  }
0x39: {  	[tilespmem:s21], [sflag:$0x2] =	stream.indirect.gather.add.f32 [spmem:s1], $0x80, s24, s14, $0xb8;
	[tilespmem:$0xF480] =	vst v63  }
0x3a: {  	_ =	swait.ge [sflag:s16], $0x4000  }
0x3b: {  	[sflag:s16] =	ssyncset.done $0x0  }
0x3c: {  	[sflag:s16] =	ssyncadd.s32 $0xFFFFC000  }
0x3d: {  	_ =	swait.ge [sflag:s16], $0x4000  }
0x3e: {  	[sflag:s16] =	ssyncset.done $0x0  }
0x3f: {  	[sflag:s16] =	ssyncadd.s32 $0xFFFFC000  }
0x40: {  	_ =	swait.ge [sflag:s16], $0x4000  }
0x41: {  	[sflag:s16] =	ssyncset.done $0x0  }
0x42: {  	[sflag:s16] =	ssyncadd.s32 $0xFFFFC000  }
0x43: {  	[hbm4b:s7+s2] =	stream.linear.scatter [tilespmem:s21], [sflag:$0x4], $0x4000, $0x38;
	[tilespmem:$0xF480] =	vst v63  }
0x44: {  	_ =	swait.ge [sflag:s25], $0x4000  }
0x45: {  	[sflag:s25] =	ssyncset.done $0x0  }
0x46: {  	s29 =	simm.s32 $0x580;
	[sflag:s25] =	ssyncadd.s32 $0xFFFFC000  }
0x47: {  	[tilespmem:s15], [sflag:$0x2] =	stream.indirect.gather [spmem:s1], $0x80, s29, s14, $0xb8;
	[tilespmem:$0xF480] =	vst v63  }
0x48: {  	_ =	swait.ge [sflag:s16], $0x4000  }
0x49: {  	[sflag:s16] =	ssyncset.done $0x0  }
0x4a: {  	s29 =	simm.s32 $0x2180;
	[sflag:s16] =	ssyncadd.s32 $0xFFFFC000  }
0x4b: {  	[tilespmem:s15], [sflag:$0x2] =	stream.indirect.gather.add.f32 [spmem:s1], $0x80, s29, s14, $0xb8;
	[tilespmem:$0xF480] =	vst v63  }
0x4c: {  	s29 =	simm.s32 $0x3D80  }
0x4d: {  	[tilespmem:s15], [sflag:$0x2] =	stream.indirect.gather.add.f32 [spmem:s1], $0x80, s29, s14, $0xb8;
	[tilespmem:$0xF480] =	vst v63  }
0x4e: {  	s29 =	simm.s32 $0x5980  }
0x4f: {  	[tilespmem:s15], [sflag:$0x2] =	stream.indirect.gather.add.f32 [spmem:s1], $0x80, s29, s14, $0xb8;
	[tilespmem:$0xF480] =	vst v63  }
0x50: {  	_ =	swait.ge [sflag:s16], $0x4000  }
0x51: {  	[sflag:s16] =	ssyncset.done $0x0  }
0x52: {  	[sflag:s16] =	ssyncadd.s32 $0xFFFFC000  }
0x53: {  	_ =	swait.ge [sflag:s16], $0x4000  }
0x54: {  	[sflag:s16] =	ssyncset.done $0x0  }
0x55: {  	[sflag:s16] =	ssyncadd.s32 $0xFFFFC000  }
0x56: {  	_ =	swait.ge [sflag:s16], $0x4000  }
0x57: {  	[sflag:s16] =	ssyncset.done $0x0  }
0x58: {  	[sflag:s16] =	ssyncadd.s32 $0xFFFFC000  }
0x59: {  	[hbm4b:s8+s2] =	stream.linear.scatter [tilespmem:s15], [sflag:$0x3], $0x4000, $0x38;
	[tilespmem:$0xF480] =	vst v63  }
0x5a: {  	_ =	swait.ge [sflag:s26], $0x4000  }
0x5b: {  	[sflag:s26] =	ssyncset.done $0x0  }
0x5c: {  	s29 =	simm.s32 $0x600;
	[sflag:s26] =	ssyncadd.s32 $0xFFFFC000  }
0x5d: {  	[tilespmem:s21], [sflag:$0x2] =	stream.indirect.gather [spmem:s1], $0x80, s29, s14, $0xb8;
	[tilespmem:$0xF480] =	vst v63  }
0x5e: {  	_ =	swait.ge [sflag:s16], $0x4000  }
0x5f: {  	[sflag:s16] =	ssyncset.done $0x0  }
0x60: {  	s29 =	simm.s32 $0x2200;
	[sflag:s16] =	ssyncadd.s32 $0xFFFFC000  }
0x61: {  	[tilespmem:s21], [sflag:$0x2] =	stream.indirect.gather.add.f32 [spmem:s1], $0x80, s29, s14, $0xb8;
	[tilespmem:$0xF480] =	vst v63  }
0x62: {  	s29 =	simm.s32 $0x3E00  }
0x63: {  	[tilespmem:s21], [sflag:$0x2] =	stream.indirect.gather.add.f32 [spmem:s1], $0x80, s29, s14, $0xb8;
	[tilespmem:$0xF480] =	vst v63  }
0x64: {  	s29 =	simm.s32 $0x5A00  }
0x65: {  	[tilespmem:s21], [sflag:$0x2] =	stream.indirect.gather.add.f32 [spmem:s1], $0x80, s29, s14, $0xb8;
	[tilespmem:$0xF480] =	vst v63  }
0x66: {  	_ =	swait.ge [sflag:s16], $0x4000  }
0x67: {  	[sflag:s16] =	ssyncset.done $0x0  }
0x68: {  	[sflag:s16] =	ssyncadd.s32 $0xFFFFC000  }
0x69: {  	_ =	swait.ge [sflag:s16], $0x4000  }
0x6a: {  	[sflag:s16] =	ssyncset.done $0x0  }
0x6b: {  	[sflag:s16] =	ssyncadd.s32 $0xFFFFC000  }
0x6c: {  	_ =	swait.ge [sflag:s16], $0x4000  }
0x6d: {  	s31 =	sadd.s32 $0x10000, s8;
	[sflag:s16] =	ssyncset.done $0x0  }
0x6e: {  	s30 =	sadd.s32 $0x20000, s8;
	s29 =	simm.s32 $0x400;
	[sflag:s16] =	ssyncadd.s32 $0xFFFFC000  }
.LBB2_2:
0x6f: {  	[hbm4b:s31+s2] =	stream.linear.scatter [tilespmem:s21], [sflag:$0x4], $0x4000, $0x38;
	[tilespmem:$0xF480] =	vst v63  }
0x70: {  	s31 =	smov.u32 s29  }
0x71: {  	p1 =	sne.s32 s29, $0x5C00;
	s29 =	sadd.s32 $0x400, s29;
	_ =	swait.ge [sflag:s25], $0x4000  }
0x72: {  	s31 =	sshra.s32 s31, $0x2;
	[sflag:s25] =	ssyncset.done $0x0  }
0x73: {  	s0 =	sadd.s32 $0x580, s31;
	[sflag:s25] =	ssyncadd.s32 $0xFFFFC000  }
0x74: {  	[tilespmem:s15], [sflag:$0x2] =	stream.indirect.gather [spmem:s1], $0x80, s0, s14, $0xb8;
	[tilespmem:$0xF480] =	vst v63  }
0x75: {  	_ =	swait.ge [sflag:s16], $0x4000  }
0x76: {  	[sflag:s16] =	ssyncset.done $0x0  }
0x77: {  	s0 =	sadd.s32 $0x2180, s31;
	[sflag:s16] =	ssyncadd.s32 $0xFFFFC000  }
0x78: {  	[tilespmem:s15], [sflag:$0x2] =	stream.indirect.gather.add.f32 [spmem:s1], $0x80, s0, s14, $0xb8;
	[tilespmem:$0xF480] =	vst v63  }
0x79: {  	s0 =	sadd.s32 $0x3D80, s31  }
0x7a: {  	[tilespmem:s15], [sflag:$0x2] =	stream.indirect.gather.add.f32 [spmem:s1], $0x80, s0, s14, $0xb8;
	[tilespmem:$0xF480] =	vst v63  }
0x7b: {  	s0 =	sadd.s32 $0x5980, s31  }
0x7c: {  	[tilespmem:s15], [sflag:$0x2] =	stream.indirect.gather.add.f32 [spmem:s1], $0x80, s0, s14, $0xb8;
	[tilespmem:$0xF480] =	vst v63  }
0x7d: {  	_ =	swait.ge [sflag:s16], $0x4000  }
0x7e: {  	[sflag:s16] =	ssyncset.done $0x0  }
0x7f: {  	[sflag:s16] =	ssyncadd.s32 $0xFFFFC000  }
0x80: {  	_ =	swait.ge [sflag:s16], $0x4000  }
0x81: {  	[sflag:s16] =	ssyncset.done $0x0  }
0x82: {  	[sflag:s16] =	ssyncadd.s32 $0xFFFFC000  }
0x83: {  	_ =	swait.ge [sflag:s16], $0x4000  }
0x84: {  	[sflag:s16] =	ssyncset.done $0x0  }
0x85: {  	[sflag:s16] =	ssyncadd.s32 $0xFFFFC000  }
0x86: {  	[hbm4b:s30+s2] =	stream.linear.scatter [tilespmem:s15], [sflag:$0x3], $0x4000, $0x38;
	[tilespmem:$0xF480] =	vst v63  }
0x87: {  	_ =	swait.ge [sflag:s26], $0x4000  }
0x88: {  	[sflag:s26] =	ssyncset.done $0x0  }
0x89: {  	s0 =	sadd.s32 $0x600, s31;
	[sflag:s26] =	ssyncadd.s32 $0xFFFFC000  }
0x8a: {  	[tilespmem:s21], [sflag:$0x2] =	stream.indirect.gather [spmem:s1], $0x80, s0, s14, $0xb8;
	[tilespmem:$0xF480] =	vst v63  }
0x8b: {  	_ =	swait.ge [sflag:s16], $0x4000  }
0x8c: {  	[sflag:s16] =	ssyncset.done $0x0  }
0x8d: {  	s0 =	sadd.s32 $0x2200, s31;
	[sflag:s16] =	ssyncadd.s32 $0xFFFFC000  }
0x8e: {  	[tilespmem:s21], [sflag:$0x2] =	stream.indirect.gather.add.f32 [spmem:s1], $0x80, s0, s14, $0xb8;
	[tilespmem:$0xF480] =	vst v63  }
0x8f: {  	s0 =	sadd.s32 $0x3E00, s31  }
0x90: {  	[tilespmem:s21], [sflag:$0x2] =	stream.indirect.gather.add.f32 [spmem:s1], $0x80, s0, s14, $0xb8;
	[tilespmem:$0xF480] =	vst v63  }
0x91: {  	s0 =	sadd.s32 $0x5A00, s31  }
0x92: {  	[tilespmem:s21], [sflag:$0x2] =	stream.indirect.gather.add.f32 [spmem:s1], $0x80, s0, s14, $0xb8;
	[tilespmem:$0xF480] =	vst v63  }
0x93: {  	_ =	swait.ge [sflag:s16], $0x4000  }
0x94: {  	[sflag:s16] =	ssyncset.done $0x0  }
0x95: {  	[sflag:s16] =	ssyncadd.s32 $0xFFFFC000  }
0x96: {  	_ =	swait.ge [sflag:s16], $0x4000  }
.Ltmp0:
0x97: {  	[sflag:s16] =	ssyncset.done $0x0;
	(pc) =	sbr.rel @p1 .LBB2_2-.Ltmp0, $4  }
0x98: {  	[sflag:s16] =	ssyncadd.s32 $0xFFFFC000  }
0x99: {  	_ =	swait.ge [sflag:s16], $0x4000  }
0x9a: {  	[sflag:s16] =	ssyncset.done $0x0  }
0x9b: {  	s31 =	sadd.s32 $0x10000, s30;
	s30 =	sadd.s32 $0x20000, s30;
	[sflag:s16] =	ssyncadd.s32 $0xFFFFC000  }
0x9c: {  	[hbm4b:s31+s2] =	stream.linear.scatter [tilespmem:s21], [sflag:$0x4], $0x4000, $0x38;
	[tilespmem:$0xF480] =	vst v63  }
0x9d: {  	s28 =	sadd.s32 $0x1, s28  }
0x9e: {  	_ =	swait.ge [sflag:s25], $0x4000;
	p1 =	sne.s32 s28, s6  }
.Ltmp1:
0x9f: {  	[sflag:s25] =	ssyncset.done $0x0;
	(pc) =	sbr.rel @p1 .LBB2_1-.Ltmp1, $4  }
0xa0: {  	[sflag:s25] =	ssyncadd.s32 $0xFFFFC000  }
0xa1: {  	_ =	swait.ge [sflag:s26], $0x4000  }
0xa2: {  	[sflag:s26] =	ssyncset.done $0x0  }
0xa3: {  	[sflag:s26] =	ssyncadd.s32 $0xFFFFC000  }
0xa4: {  	_ =	sfence.sel $0x180000  }
0xa5: {  	[bflag:$0x0] =	sbarrier.arrive $0xFFFF  }
0xa6: {  	_ =	strace $0x90000047  }
0xa7: {  	[bflag:$0x2] =	sbarrier.arrive $0xFFFF  }
0xa8: {  	s0 =	rddreg [dreg:$0x3]  }
0xa9: {  	s0 =	sadd.s32 @!p0 $0x100000, s0  }
0xaa: {  	[sflag:s0] =	ssyncadd.tile.s32 @!p0 $0x1;
	_ =	shalt  }
.Lfunc_end2:
_tile_overlayer_lowered:
.L_overlay_start_2:
0xab: {  	(tag) =	ssettag $0x2  }
0xac: {  	s0 =	rddreg [dreg:$0x0];
	s2 =	stileid.u32  }
0xad: {  	s1 =	rddreg [dreg:$0x1];
	p0 =	sne.s32 s2, $0x0  }
0xae: {  	s3 =	rddreg [dreg:$0x2];
	[bflag:$0x3] =	sbarrier.arrive $0xFFFF;
	s2 =	simm.s32 @!p0 $0x1C05  }
0xaf: {  	[timem:s3], [sflag:s2] =	dma.local @!p0 [hbm:s0], s1  }
0xb0: {  	s0 =	simm.s32 @!p0 $0x5  }
0xb1: {  	_ =	swait.ge @!p0 [sflag:s0], s1  }
0xb2: {  	s1 =	ssub.s32 @!p0 $0x0, s1;
	[sflag:s0] =	ssyncset.done @!p0 $0x0  }
0xb3: {  	[sflag:s0] =	ssyncadd.s32 @!p0 s1  }
0xb4: {  	[bflag:$0x3] =	sbarrier.arrive $0xFFFF  }
0xb5: {  	_ =	shalt  }

</sc_bundles>
